<compile_context>
chip_gen: v7x
topology: tpu7x:2x2x1
jax: 0.10.2.dev20260603
libtpu: 0.0.44.dev20260713+nightly
codegen_flags: <defaults>
</compile_context>

<pallas_src>
import functools

import jax
import jax.numpy as jnp
from jax import lax
from jax.experimental import pallas as pl
from jax.experimental.pallas import tpu as pltpu
from jax.experimental.pallas import tpu_sc as plsc

_BATCH, _HIST, _DIM = 4096, 200, 32
_B = _BATCH * _HIST

_info = plsc.get_sparse_core_info()
_NC, _NS = _info.num_cores, _info.num_subcores
_NW = _NC * _NS
_BPW = _B // _NW
_CH = 1600
_NCHUNK = _BPW // _CH

_mesh = plsc.VectorSubcoreMesh(core_axis_name="c", subcore_axis_name="s")


@functools.partial(
    pl.kernel,
    mesh=_mesh,
    out_type=jax.ShapeDtypeStruct((_B, _DIM), jnp.float32),
    scratch_types=[
        pltpu.VMEM((_CH,), jnp.int32),
        pltpu.VMEM((_CH,), jnp.int32),
        pltpu.VMEM((_CH, _DIM), jnp.float32),
        pltpu.VMEM((_CH, _DIM), jnp.float32),
        pltpu.SemaphoreType.DMA,
        pltpu.SemaphoreType.DMA,
    ],
    compiler_params=pltpu.CompilerParams(use_tc_tiling_on_sc=False),
)
def _gather(idx_hbm, table_hbm, out_hbm, idx0, idx1, rows0, rows1, gat_sem, out_sem):
    wid = lax.axis_index("s") * _NC + lax.axis_index("c")
    base = wid * _BPW
    idx_v = [idx0, idx1]
    rows_v = [rows0, rows1]

    def load_idx(i, b):
        pltpu.sync_copy(idx_hbm.at[pl.ds(base + i * _CH, _CH)], idx_v[b])

    def start_gather(b):
        return pltpu.async_copy(table_hbm.at[idx_v[b]], rows_v[b], gat_sem)

    def start_out(i, b):
        return pltpu.async_copy(
            rows_v[b], out_hbm.at[pl.ds(base + i * _CH, _CH)], out_sem
        )

    load_idx(0, 0)
    gathers = [start_gather(0)]
    outs = []
    for i in range(_NCHUNK):
        b = i % 2
        if i + 1 < _NCHUNK:
            load_idx(i + 1, 1 - b)
        gathers[i].wait()
        if i >= 1:
            outs[i - 1].wait()
        if i + 1 < _NCHUNK:
            gathers.append(start_gather(1 - b))
        outs.append(start_out(i, b))
    outs[-1].wait()


def kernel(inputs, table):
    flat = inputs.reshape(-1).astype(jnp.int32)
    out = _gather(flat, table)
    return out.reshape(_BATCH, _HIST, _DIM)

# --- scband reference (transcript-rebuilt; emitter-appended) ---
"""Pipeline reference for scband-text-field-embedder-tokens-16131897163791 (READ-ONLY COPY).

The authoritative reference and input builder live on the scoring server;
editing this copy changes nothing except your own understanding.
"""

import jax, jax.numpy as jnp
import numpy as np

VOCAB = 1000000
DIM = 32
BATCH = 4096
HIST = 200

def setup_inputs(seed: int = 0) -> dict:
    key = jax.random.key(seed)
    k_idx, k_tab = jax.random.split(key)
    inputs = jax.random.randint(k_idx, (BATCH, HIST), 0, VOCAB, dtype=jnp.int64 if jax.config.jax_enable_x64 else jnp.int32)
    table = jax.random.normal(k_tab, (VOCAB, DIM), dtype=jnp.float32) * (1.0 / np.sqrt(DIM))
    return {"inputs": inputs, "table": table}

def reference(inputs, table):
    # TextFieldEmbedderTokens.forward: dropout(embed(inputs)).
    # Dropout with p=0.0 (inference) is identity; embedding is a row gather.
    out = jnp.take(table, inputs, axis=0)
    return out

if __name__ == "__main__":
    import jax
    _d = setup_inputs()
    print(jax.jit(kernel)(*tuple(_d.values())))

</pallas_src>

<mosaic_0001>
#map = affine_map<(d0, d1) -> (0)>
#map1 = affine_map<(d0, d1) -> (0, 0)>
module attributes {stable_mosaic.version = 14 : i64} {
  func.func @_gather(%arg0: i32, %arg1: i32, %arg2: memref<819200xi32, #tpu.memory_space<hbm>>, %arg3: memref<1000000x32xf32, #tpu.memory_space<hbm>>, %arg4: memref<819200x32xf32, #tpu.memory_space<hbm>>, %arg5: memref<1600xi32, #tpu.memory_space<vmem>>, %arg6: memref<1600xi32, #tpu.memory_space<vmem>>, %arg7: memref<1600x32xf32, #tpu.memory_space<vmem>>, %arg8: memref<1600x32xf32, #tpu.memory_space<vmem>>, %arg9: memref<!tpu.dma_semaphore, #tpu.memory_space<semaphore_mem>>, %arg10: memref<!tpu.dma_semaphore, #tpu.memory_space<semaphore_mem>>) attributes {dimension_semantics = [#tpu.dimension_semantics<core_parallel>, #tpu.dimension_semantics<subcore_parallel>], iteration_bounds = array<i64: 2, 16>, scalar_prefetch = 0 : i64, scratch_operands = 6 : i64, tpu.core_type = #tpu.core_type<sc_vector_subcore>, window_params = [{transform_indices = #map}, {transform_indices = #map1}, {transform_indices = #map1}]} {
    %mul3A = arith.constant 2 : i32
    %mul3A_0 = arith.muli %arg1, %mul3A : i32
    %add3A = arith.addi %mul3A_0, %arg0 : i32
    %mul3A_1 = arith.constant 25600 : i32
    %mul3A_2 = arith.muli %add3A, %mul3A_1 : i32
    %add3A_3 = arith.constant 0 : i32
    %add3A_4 = arith.addi %mul3A_2, %add3A_3 : i32
    "tpu.region"() ({
      %run_scoped3A = tpu.sem_alloc : memref<!tpu.dma_semaphore, #tpu.memory_space<semaphore_mem>>
      %dma_start3A_289 = tpu.memref_slice %arg2[%add3A_4] : memref<819200xi32, #tpu.memory_space<hbm>> -> memref<1600xi32, #tpu.memory_space<hbm>>
      %dma_start3A_290 = tpu.memref_slice %arg2[%add3A_4] : memref<819200xi32, #tpu.memory_space<hbm>> -> memref<1600xi32, #tpu.memory_space<hbm>>
      tpu.enqueue_dma source(%dma_start3A_290 : memref<1600xi32, #tpu.memory_space<hbm>>) target(%arg5 : memref<1600xi32, #tpu.memory_space<vmem>>) target_semaphore(%run_scoped3A : memref<!tpu.dma_semaphore, #tpu.memory_space<semaphore_mem>>)
      %dma_wait3A_291 = tpu.memref_slice %arg2[%add3A_4] : memref<819200xi32, #tpu.memory_space<hbm>> -> memref<1600xi32, #tpu.memory_space<hbm>>
      %dma_wait3A_292 = tpu.memref_slice %arg2[%add3A_4] : memref<819200xi32, #tpu.memory_space<hbm>> -> memref<1600xi32, #tpu.memory_space<hbm>>
      tpu.wait_dma2 semaphore(%run_scoped3A : memref<!tpu.dma_semaphore, #tpu.memory_space<semaphore_mem>>) src(%dma_wait3A_292 : memref<1600xi32, #tpu.memory_space<hbm>>) dst(%arg5 : memref<1600xi32, #tpu.memory_space<vmem>>)
      tpu.yield
    }) : () -> ()
    %dma_start3A = arith.constant 0 : i32
    %dma_start3A_5 = arith.constant 0 : i32
    %dma_start3A_6 = tpu.memref_slice %arg3[%dma_start3A, %dma_start3A_5] : memref<1000000x32xf32, #tpu.memory_space<hbm>> -> memref<1000000x32xf32, #tpu.memory_space<hbm>>
    tpu.enqueue_indirect_dma source(%dma_start3A_6 : memref<1000000x32xf32, #tpu.memory_space<hbm>>) target(%arg7 : memref<1600x32xf32, #tpu.memory_space<vmem>>) offsets(%arg5 : memref<1600xi32, #tpu.memory_space<vmem>>) semaphore(%arg9 : memref<!tpu.dma_semaphore, #tpu.memory_space<semaphore_mem>>)
    %add3A_7 = arith.constant 1600 : i32
    %add3A_8 = arith.addi %mul3A_2, %add3A_7 : i32
    "tpu.region"() ({
      %run_scoped3A = tpu.sem_alloc : memref<!tpu.dma_semaphore, #tpu.memory_space<semaphore_mem>>
      %dma_start3A_289 = tpu.memref_slice %arg2[%add3A_8] : memref<819200xi32, #tpu.memory_space<hbm>> -> memref<1600xi32, #tpu.memory_space<hbm>>
      %dma_start3A_290 = tpu.memref_slice %arg2[%add3A_8] : memref<819200xi32, #tpu.memory_space<hbm>> -> memref<1600xi32, #tpu.memory_space<hbm>>
      tpu.enqueue_dma source(%dma_start3A_290 : memref<1600xi32, #tpu.memory_space<hbm>>) target(%arg6 : memref<1600xi32, #tpu.memory_space<vmem>>) target_semaphore(%run_scoped3A : memref<!tpu.dma_semaphore, #tpu.memory_space<semaphore_mem>>)
      %dma_wait3A_291 = tpu.memref_slice %arg2[%add3A_8] : memref<819200xi32, #tpu.memory_space<hbm>> -> memref<1600xi32, #tpu.memory_space<hbm>>
      %dma_wait3A_292 = tpu.memref_slice %arg2[%add3A_8] : memref<819200xi32, #tpu.memory_space<hbm>> -> memref<1600xi32, #tpu.memory_space<hbm>>
      tpu.wait_dma2 semaphore(%run_scoped3A : memref<!tpu.dma_semaphore, #tpu.memory_space<semaphore_mem>>) src(%dma_wait3A_292 : memref<1600xi32, #tpu.memory_space<hbm>>) dst(%arg6 : memref<1600xi32, #tpu.memory_space<vmem>>)
      tpu.yield
    }) : () -> ()
    %dma_wait3A = arith.constant 0 : i32
    %dma_wait3A_9 = arith.constant 0 : i32
    %dma_wait3A_10 = tpu.memref_slice %arg3[%dma_wait3A, %dma_wait3A_9] : memref<1000000x32xf32, #tpu.memory_space<hbm>> -> memref<1000000x32xf32, #tpu.memory_space<hbm>>
    tpu.wait_indirect_dma semaphore(%arg9 : memref<!tpu.dma_semaphore, #tpu.memory_space<semaphore_mem>>) src(%dma_wait3A_10 : memref<1000000x32xf32, #tpu.memory_space<hbm>>) dst(%arg7 : memref<1600x32xf32, #tpu.memory_space<vmem>>)
    %dma_start3A_11 = arith.constant 0 : i32
    %dma_start3A_12 = arith.constant 0 : i32
    %dma_start3A_13 = tpu.memref_slice %arg3[%dma_start3A_11, %dma_start3A_12] : memref<1000000x32xf32, #tpu.memory_space<hbm>> -> memref<1000000x32xf32, #tpu.memory_space<hbm>>
    tpu.enqueue_indirect_dma source(%dma_start3A_13 : memref<1000000x32xf32, #tpu.memory_space<hbm>>) target(%arg8 : memref<1600x32xf32, #tpu.memory_space<vmem>>) offsets(%arg6 : memref<1600xi32, #tpu.memory_space<vmem>>) semaphore(%arg9 : memref<!tpu.dma_semaphore, #tpu.memory_space<semaphore_mem>>)
    %add3A_14 = arith.constant 0 : i32
    %add3A_15 = arith.addi %mul3A_2, %add3A_14 : i32
    %dma_start3A_16 = arith.constant 0 : i32
    %dma_start3A_17 = tpu.memref_slice %arg4[%add3A_15, %dma_start3A_16] : memref<819200x32xf32, #tpu.memory_space<hbm>> -> memref<1600x32xf32, #tpu.memory_space<hbm>>
    %dma_start3A_18 = arith.constant 0 : i32
    %dma_start3A_19 = tpu.memref_slice %arg4[%add3A_15, %dma_start3A_18] : memref<819200x32xf32, #tpu.memory_space<hbm>> -> memref<1600x32xf32, #tpu.memory_space<hbm>>
    tpu.enqueue_dma source(%arg7 : memref<1600x32xf32, #tpu.memory_space<vmem>>) target(%dma_start3A_19 : memref<1600x32xf32, #tpu.memory_space<hbm>>) target_semaphore(%arg10 : memref<!tpu.dma_semaphore, #tpu.memory_space<semaphore_mem>>)
    %add3A_20 = arith.constant 3200 : i32
    %add3A_21 = arith.addi %mul3A_2, %add3A_20 : i32
    "tpu.region"() ({
      %run_scoped3A = tpu.sem_alloc : memref<!tpu.dma_semaphore, #tpu.memory_space<semaphore_mem>>
      %dma_start3A_289 = tpu.memref_slice %arg2[%add3A_21] : memref<819200xi32, #tpu.memory_space<hbm>> -> memref<1600xi32, #tpu.memory_space<hbm>>
      %dma_start3A_290 = tpu.memref_slice %arg2[%add3A_21] : memref<819200xi32, #tpu.memory_space<hbm>> -> memref<1600xi32, #tpu.memory_space<hbm>>
      tpu.enqueue_dma source(%dma_start3A_290 : memref<1600xi32, #tpu.memory_space<hbm>>) target(%arg5 : memref<1600xi32, #tpu.memory_space<vmem>>) target_semaphore(%run_scoped3A : memref<!tpu.dma_semaphore, #tpu.memory_space<semaphore_mem>>)
      %dma_wait3A_291 = tpu.memref_slice %arg2[%add3A_21] : memref<819200xi32, #tpu.memory_space<hbm>> -> memref<1600xi32, #tpu.memory_space<hbm>>
      %dma_wait3A_292 = tpu.memref_slice %arg2[%add3A_21] : memref<819200xi32, #tpu.memory_space<hbm>> -> memref<1600xi32, #tpu.memory_space<hbm>>
      tpu.wait_dma2 semaphore(%run_scoped3A : memref<!tpu.dma_semaphore, #tpu.memory_space<semaphore_mem>>) src(%dma_wait3A_292 : memref<1600xi32, #tpu.memory_space<hbm>>) dst(%arg5 : memref<1600xi32, #tpu.memory_space<vmem>>)
      tpu.yield
    }) : () -> ()
    %dma_wait3A_22 = arith.constant 0 : i32
    %dma_wait3A_23 = arith.constant 0 : i32
    %dma_wait3A_24 = tpu.memref_slice %arg3[%dma_wait3A_22, %dma_wait3A_23] : memref<1000000x32xf32, #tpu.memory_space<hbm>> -> memref<1000000x32xf32, #tpu.memory_space<hbm>>
    tpu.wait_indirect_dma semaphore(%arg9 : memref<!tpu.dma_semaphore, #tpu.memory_space<semaphore_mem>>) src(%dma_wait3A_24 : memref<1000000x32xf32, #tpu.memory_space<hbm>>) dst(%arg8 : memref<1600x32xf32, #tpu.memory_space<vmem>>)
    %dma_wait3A_25 = arith.constant 0 : i32
    %dma_wait3A_26 = tpu.memref_slice %arg4[%add3A_15, %dma_wait3A_25] : memref<819200x32xf32, #tpu.memory_space<hbm>> -> memref<1600x32xf32, #tpu.memory_space<hbm>>
    %dma_wait3A_27 = arith.constant 0 : i32
    %dma_wait3A_28 = tpu.memref_slice %arg4[%add3A_15, %dma_wait3A_27] : memref<819200x32xf32, #tpu.memory_space<hbm>> -> memref<1600x32xf32, #tpu.memory_space<hbm>>
    tpu.wait_dma2 semaphore(%arg10 : memref<!tpu.dma_semaphore, #tpu.memory_space<semaphore_mem>>) src(%arg7 : memref<1600x32xf32, #tpu.memory_space<vmem>>) dst(%dma_wait3A_28 : memref<1600x32xf32, #tpu.memory_space<hbm>>)
    %dma_start3A_29 = arith.constant 0 : i32
    %dma_start3A_30 = arith.constant 0 : i32
    %dma_start3A_31 = tpu.memref_slice %arg3[%dma_start3A_29, %dma_start3A_30] : memref<1000000x32xf32, #tpu.memory_space<hbm>> -> memref<1000000x32xf32, #tpu.memory_space<hbm>>
    tpu.enqueue_indirect_dma source(%dma_start3A_31 : memref<1000000x32xf32, #tpu.memory_space<hbm>>) target(%arg7 : memref<1600x32xf32, #tpu.memory_space<vmem>>) offsets(%arg5 : memref<1600xi32, #tpu.memory_space<vmem>>) semaphore(%arg9 : memref<!tpu.dma_semaphore, #tpu.memory_space<semaphore_mem>>)
    %add3A_32 = arith.constant 1600 : i32
    %add3A_33 = arith.addi %mul3A_2, %add3A_32 : i32
    %dma_start3A_34 = arith.constant 0 : i32
    %dma_start3A_35 = tpu.memref_slice %arg4[%add3A_33, %dma_start3A_34] : memref<819200x32xf32, #tpu.memory_space<hbm>> -> memref<1600x32xf32, #tpu.memory_space<hbm>>
    %dma_start3A_36 = arith.constant 0 : i32
    %dma_start3A_37 = tpu.memref_slice %arg4[%add3A_33, %dma_start3A_36] : memref<819200x32xf32, #tpu.memory_space<hbm>> -> memref<1600x32xf32, #tpu.memory_space<hbm>>
    tpu.enqueue_dma source(%arg8 : memref<1600x32xf32, #tpu.memory_space<vmem>>) target(%dma_start3A_37 : memref<1600x32xf32, #tpu.memory_space<hbm>>) target_semaphore(%arg10 : memref<!tpu.dma_semaphore, #tpu.memory_space<semaphore_mem>>)
    %add3A_38 = arith.constant 4800 : i32
    %add3A_39 = arith.addi %mul3A_2, %add3A_38 : i32
    "tpu.region"() ({
      %run_scoped3A = tpu.sem_alloc : memref<!tpu.dma_semaphore, #tpu.memory_space<semaphore_mem>>
      %dma_start3A_289 = tpu.memref_slice %arg2[%add3A_39] : memref<819200xi32, #tpu.memory_space<hbm>> -> memref<1600xi32, #tpu.memory_space<hbm>>
      %dma_start3A_290 = tpu.memref_slice %arg2[%add3A_39] : memref<819200xi32, #tpu.memory_space<hbm>> -> memref<1600xi32, #tpu.memory_space<hbm>>
      tpu.enqueue_dma source(%dma_start3A_290 : memref<1600xi32, #tpu.memory_space<hbm>>) target(%arg6 : memref<1600xi32, #tpu.memory_space<vmem>>) target_semaphore(%run_scoped3A : memref<!tpu.dma_semaphore, #tpu.memory_space<semaphore_mem>>)
      %dma_wait3A_291 = tpu.memref_slice %arg2[%add3A_39] : memref<819200xi32, #tpu.memory_space<hbm>> -> memref<1600xi32, #tpu.memory_space<hbm>>
      %dma_wait3A_292 = tpu.memref_slice %arg2[%add3A_39] : memref<819200xi32, #tpu.memory_space<hbm>> -> memref<1600xi32, #tpu.memory_space<hbm>>
      tpu.wait_dma2 semaphore(%run_scoped3A : memref<!tpu.dma_semaphore, #tpu.memory_space<semaphore_mem>>) src(%dma_wait3A_292 : memref<1600xi32, #tpu.memory_space<hbm>>) dst(%arg6 : memref<1600xi32, #tpu.memory_space<vmem>>)
      tpu.yield
    }) : () -> ()
    %dma_wait3A_40 = arith.constant 0 : i32
    %dma_wait3A_41 = arith.constant 0 : i32
    %dma_wait3A_42 = tpu.memref_slice %arg3[%dma_wait3A_40, %dma_wait3A_41] : memref<1000000x32xf32, #tpu.memory_space<hbm>> -> memref<1000000x32xf32, #tpu.memory_space<hbm>>
    tpu.wait_indirect_dma semaphore(%arg9 : memref<!tpu.dma_semaphore, #tpu.memory_space<semaphore_mem>>) src(%dma_wait3A_42 : memref<1000000x32xf32, #tpu.memory_space<hbm>>) dst(%arg7 : memref<1600x32xf32, #tpu.memory_space<vmem>>)
    %dma_wait3A_43 = arith.constant 0 : i32
    %dma_wait3A_44 = tpu.memref_slice %arg4[%add3A_33, %dma_wait3A_43] : memref<819200x32xf32, #tpu.memory_space<hbm>> -> memref<1600x32xf32, #tpu.memory_space<hbm>>
    %dma_wait3A_45 = arith.constant 0 : i32
    %dma_wait3A_46 = tpu.memref_slice %arg4[%add3A_33, %dma_wait3A_45] : memref<819200x32xf32, #tpu.memory_space<hbm>> -> memref<1600x32xf32, #tpu.memory_space<hbm>>
    tpu.wait_dma2 semaphore(%arg10 : memref<!tpu.dma_semaphore, #tpu.memory_space<semaphore_mem>>) src(%arg8 : memref<1600x32xf32, #tpu.memory_space<vmem>>) dst(%dma_wait3A_46 : memref<1600x32xf32, #tpu.memory_space<hbm>>)
    %dma_start3A_47 = arith.constant 0 : i32
    %dma_start3A_48 = arith.constant 0 : i32
    %dma_start3A_49 = tpu.memref_slice %arg3[%dma_start3A_47, %dma_start3A_48] : memref<1000000x32xf32, #tpu.memory_space<hbm>> -> memref<1000000x32xf32, #tpu.memory_space<hbm>>
    tpu.enqueue_indirect_dma source(%dma_start3A_49 : memref<1000000x32xf32, #tpu.memory_space<hbm>>) target(%arg8 : memref<1600x32xf32, #tpu.memory_space<vmem>>) offsets(%arg6 : memref<1600xi32, #tpu.memory_space<vmem>>) semaphore(%arg9 : memref<!tpu.dma_semaphore, #tpu.memory_space<semaphore_mem>>)
    %add3A_50 = arith.constant 3200 : i32
    %add3A_51 = arith.addi %mul3A_2, %add3A_50 : i32
    %dma_start3A_52 = arith.constant 0 : i32
    %dma_start3A_53 = tpu.memref_slice %arg4[%add3A_51, %dma_start3A_52] : memref<819200x32xf32, #tpu.memory_space<hbm>> -> memref<1600x32xf32, #tpu.memory_space<hbm>>
    %dma_start3A_54 = arith.constant 0 : i32
    %dma_start3A_55 = tpu.memref_slice %arg4[%add3A_51, %dma_start3A_54] : memref<819200x32xf32, #tpu.memory_space<hbm>> -> memref<1600x32xf32, #tpu.memory_space<hbm>>
    tpu.enqueue_dma source(%arg7 : memref<1600x32xf32, #tpu.memory_space<vmem>>) target(%dma_start3A_55 : memref<1600x32xf32, #tpu.memory_space<hbm>>) target_semaphore(%arg10 : memref<!tpu.dma_semaphore, #tpu.memory_space<semaphore_mem>>)
    %add3A_56 = arith.constant 6400 : i32
    %add3A_57 = arith.addi %mul3A_2, %add3A_56 : i32
    "tpu.region"() ({
      %run_scoped3A = tpu.sem_alloc : memref<!tpu.dma_semaphore, #tpu.memory_space<semaphore_mem>>
      %dma_start3A_289 = tpu.memref_slice %arg2[%add3A_57] : memref<819200xi32, #tpu.memory_space<hbm>> -> memref<1600xi32, #tpu.memory_space<hbm>>
      %dma_start3A_290 = tpu.memref_slice %arg2[%add3A_57] : memref<819200xi32, #tpu.memory_space<hbm>> -> memref<1600xi32, #tpu.memory_space<hbm>>
      tpu.enqueue_dma source(%dma_start3A_290 : memref<1600xi32, #tpu.memory_space<hbm>>) target(%arg5 : memref<1600xi32, #tpu.memory_space<vmem>>) target_semaphore(%run_scoped3A : memref<!tpu.dma_semaphore, #tpu.memory_space<semaphore_mem>>)
      %dma_wait3A_291 = tpu.memref_slice %arg2[%add3A_57] : memref<819200xi32, #tpu.memory_space<hbm>> -> memref<1600xi32, #tpu.memory_space<hbm>>
      %dma_wait3A_292 = tpu.memref_slice %arg2[%add3A_57] : memref<819200xi32, #tpu.memory_space<hbm>> -> memref<1600xi32, #tpu.memory_space<hbm>>
      tpu.wait_dma2 semaphore(%run_scoped3A : memref<!tpu.dma_semaphore, #tpu.memory_space<semaphore_mem>>) src(%dma_wait3A_292 : memref<1600xi32, #tpu.memory_space<hbm>>) dst(%arg5 : memref<1600xi32, #tpu.memory_space<vmem>>)
      tpu.yield
    }) : () -> ()
    %dma_wait3A_58 = arith.constant 0 : i32
    %dma_wait3A_59 = arith.constant 0 : i32
    %dma_wait3A_60 = tpu.memref_slice %arg3[%dma_wait3A_58, %dma_wait3A_59] : memref<1000000x32xf32, #tpu.memory_space<hbm>> -> memref<1000000x32xf32, #tpu.memory_space<hbm>>
    tpu.wait_indirect_dma semaphore(%arg9 : memref<!tpu.dma_semaphore, #tpu.memory_space<semaphore_mem>>) src(%dma_wait3A_60 : memref<1000000x32xf32, #tpu.memory_space<hbm>>) dst(%arg8 : memref<1600x32xf32, #tpu.memory_space<vmem>>)
    %dma_wait3A_61 = arith.constant 0 : i32
    %dma_wait3A_62 = tpu.memref_slice %arg4[%add3A_51, %dma_wait3A_61] : memref<819200x32xf32, #tpu.memory_space<hbm>> -> memref<1600x32xf32, #tpu.memory_space<hbm>>
    %dma_wait3A_63 = arith.constant 0 : i32
    %dma_wait3A_64 = tpu.memref_slice %arg4[%add3A_51, %dma_wait3A_63] : memref<819200x32xf32, #tpu.memory_space<hbm>> -> memref<1600x32xf32, #tpu.memory_space<hbm>>
    tpu.wait_dma2 semaphore(%arg10 : memref<!tpu.dma_semaphore, #tpu.memory_space<semaphore_mem>>) src(%arg7 : memref<1600x32xf32, #tpu.memory_space<vmem>>) dst(%dma_wait3A_64 : memref<1600x32xf32, #tpu.memory_space<hbm>>)
    %dma_start3A_65 = arith.constant 0 : i32
    %dma_start3A_66 = arith.constant 0 : i32
    %dma_start3A_67 = tpu.memref_slice %arg3[%dma_start3A_65, %dma_start3A_66] : memref<1000000x32xf32, #tpu.memory_space<hbm>> -> memref<1000000x32xf32, #tpu.memory_space<hbm>>
    tpu.enqueue_indirect_dma source(%dma_start3A_67 : memref<1000000x32xf32, #tpu.memory_space<hbm>>) target(%arg7 : memref<1600x32xf32, #tpu.memory_space<vmem>>) offsets(%arg5 : memref<1600xi32, #tpu.memory_space<vmem>>) semaphore(%arg9 : memref<!tpu.dma_semaphore, #tpu.memory_space<semaphore_mem>>)
    %add3A_68 = arith.constant 4800 : i32
    %add3A_69 = arith.addi %mul3A_2, %add3A_68 : i32
    %dma_start3A_70 = arith.constant 0 : i32
    %dma_start3A_71 = tpu.memref_slice %arg4[%add3A_69, %dma_start3A_70] : memref<819200x32xf32, #tpu.memory_space<hbm>> -> memref<1600x32xf32, #tpu.memory_space<hbm>>
    %dma_start3A_72 = arith.constant 0 : i32
    %dma_start3A_73 = tpu.memref_slice %arg4[%add3A_69, %dma_start3A_72] : memref<819200x32xf32, #tpu.memory_space<hbm>> -> memref<1600x32xf32, #tpu.memory_space<hbm>>
    tpu.enqueue_dma source(%arg8 : memref<1600x32xf32, #tpu.memory_space<vmem>>) target(%dma_start3A_73 : memref<1600x32xf32, #tpu.memory_space<hbm>>) target_semaphore(%arg10 : memref<!tpu.dma_semaphore, #tpu.memory_space<semaphore_mem>>)
    %add3A_74 = arith.constant 8000 : i32
    %add3A_75 = arith.addi %mul3A_2, %add3A_74 : i32
    "tpu.region"() ({
      %run_scoped3A = tpu.sem_alloc : memref<!tpu.dma_semaphore, #tpu.memory_space<semaphore_mem>>
      %dma_start3A_289 = tpu.memref_slice %arg2[%add3A_75] : memref<819200xi32, #tpu.memory_space<hbm>> -> memref<1600xi32, #tpu.memory_space<hbm>>
      %dma_start3A_290 = tpu.memref_slice %arg2[%add3A_75] : memref<819200xi32, #tpu.memory_space<hbm>> -> memref<1600xi32, #tpu.memory_space<hbm>>
      tpu.enqueue_dma source(%dma_start3A_290 : memref<1600xi32, #tpu.memory_space<hbm>>) target(%arg6 : memref<1600xi32, #tpu.memory_space<vmem>>) target_semaphore(%run_scoped3A : memref<!tpu.dma_semaphore, #tpu.memory_space<semaphore_mem>>)
      %dma_wait3A_291 = tpu.memref_slice %arg2[%add3A_75] : memref<819200xi32, #tpu.memory_space<hbm>> -> memref<1600xi32, #tpu.memory_space<hbm>>
      %dma_wait3A_292 = tpu.memref_slice %arg2[%add3A_75] : memref<819200xi32, #tpu.memory_space<hbm>> -> memref<1600xi32, #tpu.memory_space<hbm>>
      tpu.wait_dma2 semaphore(%run_scoped3A : memref<!tpu.dma_semaphore, #tpu.memory_space<semaphore_mem>>) src(%dma_wait3A_292 : memref<1600xi32, #tpu.memory_space<hbm>>) dst(%arg6 : memref<1600xi32, #tpu.memory_space<vmem>>)
      tpu.yield
    }) : () -> ()
    %dma_wait3A_76 = arith.constant 0 : i32
    %dma_wait3A_77 = arith.constant 0 : i32
    %dma_wait3A_78 = tpu.memref_slice %arg3[%dma_wait3A_76, %dma_wait3A_77] : memref<1000000x32xf32, #tpu.memory_space<hbm>> -> memref<1000000x32xf32, #tpu.memory_space<hbm>>
    tpu.wait_indirect_dma semaphore(%arg9 : memref<!tpu.dma_semaphore, #tpu.memory_space<semaphore_mem>>) src(%dma_wait3A_78 : memref<1000000x32xf32, #tpu.memory_space<hbm>>) dst(%arg7 : memref<1600x32xf32, #tpu.memory_space<vmem>>)
    %dma_wait3A_79 = arith.constant 0 : i32
    %dma_wait3A_80 = tpu.memref_slice %arg4[%add3A_69, %dma_wait3A_79] : memref<819200x32xf32, #tpu.memory_space<hbm>> -> memref<1600x32xf32, #tpu.memory_space<hbm>>
    %dma_wait3A_81 = arith.constant 0 : i32
    %dma_wait3A_82 = tpu.memref_slice %arg4[%add3A_69, %dma_wait3A_81] : memref<819200x32xf32, #tpu.memory_space<hbm>> -> memref<1600x32xf32, #tpu.memory_space<hbm>>
    tpu.wait_dma2 semaphore(%arg10 : memref<!tpu.dma_semaphore, #tpu.memory_space<semaphore_mem>>) src(%arg8 : memref<1600x32xf32, #tpu.memory_space<vmem>>) dst(%dma_wait3A_82 : memref<1600x32xf32, #tpu.memory_space<hbm>>)
    %dma_start3A_83 = arith.constant 0 : i32
    %dma_start3A_84 = arith.constant 0 : i32
    %dma_start3A_85 = tpu.memref_slice %arg3[%dma_start3A_83, %dma_start3A_84] : memref<1000000x32xf32, #tpu.memory_space<hbm>> -> memref<1000000x32xf32, #tpu.memory_space<hbm>>
    tpu.enqueue_indirect_dma source(%dma_start3A_85 : memref<1000000x32xf32, #tpu.memory_space<hbm>>) target(%arg8 : memref<1600x32xf32, #tpu.memory_space<vmem>>) offsets(%arg6 : memref<1600xi32, #tpu.memory_space<vmem>>) semaphore(%arg9 : memref<!tpu.dma_semaphore, #tpu.memory_space<semaphore_mem>>)
    %add3A_86 = arith.constant 6400 : i32
    %add3A_87 = arith.addi %mul3A_2, %add3A_86 : i32
    %dma_start3A_88 = arith.constant 0 : i32
    %dma_start3A_89 = tpu.memref_slice %arg4[%add3A_87, %dma_start3A_88] : memref<819200x32xf32, #tpu.memory_space<hbm>> -> memref<1600x32xf32, #tpu.memory_space<hbm>>
    %dma_start3A_90 = arith.constant 0 : i32
    %dma_start3A_91 = tpu.memref_slice %arg4[%add3A_87, %dma_start3A_90] : memref<819200x32xf32, #tpu.memory_space<hbm>> -> memref<1600x32xf32, #tpu.memory_space<hbm>>
    tpu.enqueue_dma source(%arg7 : memref<1600x32xf32, #tpu.memory_space<vmem>>) target(%dma_start3A_91 : memref<1600x32xf32, #tpu.memory_space<hbm>>) target_semaphore(%arg10 : memref<!tpu.dma_semaphore, #tpu.memory_space<semaphore_mem>>)
    %add3A_92 = arith.constant 9600 : i32
    %add3A_93 = arith.addi %mul3A_2, %add3A_92 : i32
    "tpu.region"() ({
      %run_scoped3A = tpu.sem_alloc : memref<!tpu.dma_semaphore, #tpu.memory_space<semaphore_mem>>
      %dma_start3A_289 = tpu.memref_slice %arg2[%add3A_93] : memref<819200xi32, #tpu.memory_space<hbm>> -> memref<1600xi32, #tpu.memory_space<hbm>>
      %dma_start3A_290 = tpu.memref_slice %arg2[%add3A_93] : memref<819200xi32, #tpu.memory_space<hbm>> -> memref<1600xi32, #tpu.memory_space<hbm>>
      tpu.enqueue_dma source(%dma_start3A_290 : memref<1600xi32, #tpu.memory_space<hbm>>) target(%arg5 : memref<1600xi32, #tpu.memory_space<vmem>>) target_semaphore(%run_scoped3A : memref<!tpu.dma_semaphore, #tpu.memory_space<semaphore_mem>>)
      %dma_wait3A_291 = tpu.memref_slice %arg2[%add3A_93] : memref<819200xi32, #tpu.memory_space<hbm>> -> memref<1600xi32, #tpu.memory_space<hbm>>
      %dma_wait3A_292 = tpu.memref_slice %arg2[%add3A_93] : memref<819200xi32, #tpu.memory_space<hbm>> -> memref<1600xi32, #tpu.memory_space<hbm>>
      tpu.wait_dma2 semaphore(%run_scoped3A : memref<!tpu.dma_semaphore, #tpu.memory_space<semaphore_mem>>) src(%dma_wait3A_292 : memref<1600xi32, #tpu.memory_space<hbm>>) dst(%arg5 : memref<1600xi32, #tpu.memory_space<vmem>>)
      tpu.yield
    }) : () -> ()
    %dma_wait3A_94 = arith.constant 0 : i32
    %dma_wait3A_95 = arith.constant 0 : i32
    %dma_wait3A_96 = tpu.memref_slice %arg3[%dma_wait3A_94, %dma_wait3A_95] : memref<1000000x32xf32, #tpu.memory_space<hbm>> -> memref<1000000x32xf32, #tpu.memory_space<hbm>>
    tpu.wait_indirect_dma semaphore(%arg9 : memref<!tpu.dma_semaphore, #tpu.memory_space<semaphore_mem>>) src(%dma_wait3A_96 : memref<1000000x32xf32, #tpu.memory_space<hbm>>) dst(%arg8 : memref<1600x32xf32, #tpu.memory_space<vmem>>)
    %dma_wait3A_97 = arith.constant 0 : i32
    %dma_wait3A_98 = tpu.memref_slice %arg4[%add3A_87, %dma_wait3A_97] : memref<819200x32xf32, #tpu.memory_space<hbm>> -> memref<1600x32xf32, #tpu.memory_space<hbm>>
    %dma_wait3A_99 = arith.constant 0 : i32
    %dma_wait3A_100 = tpu.memref_slice %arg4[%add3A_87, %dma_wait3A_99] : memref<819200x32xf32, #tpu.memory_space<hbm>> -> memref<1600x32xf32, #tpu.memory_space<hbm>>
    tpu.wait_dma2 semaphore(%arg10 : memref<!tpu.dma_semaphore, #tpu.memory_space<semaphore_mem>>) src(%arg7 : memref<1600x32xf32, #tpu.memory_space<vmem>>) dst(%dma_wait3A_100 : memref<1600x32xf32, #tpu.memory_space<hbm>>)
    %dma_start3A_101 = arith.constant 0 : i32
    %dma_start3A_102 = arith.constant 0 : i32
    %dma_start3A_103 = tpu.memref_slice %arg3[%dma_start3A_101, %dma_start3A_102] : memref<1000000x32xf32, #tpu.memory_space<hbm>> -> memref<1000000x32xf32, #tpu.memory_space<hbm>>
    tpu.enqueue_indirect_dma source(%dma_start3A_103 : memref<1000000x32xf32, #tpu.memory_space<hbm>>) target(%arg7 : memref<1600x32xf32, #tpu.memory_space<vmem>>) offsets(%arg5 : memref<1600xi32, #tpu.memory_space<vmem>>) semaphore(%arg9 : memref<!tpu.dma_semaphore, #tpu.memory_space<semaphore_mem>>)
    %add3A_104 = arith.constant 8000 : i32
    %add3A_105 = arith.addi %mul3A_2, %add3A_104 : i32
    %dma_start3A_106 = arith.constant 0 : i32
    %dma_start3A_107 = tpu.memref_slice %arg4[%add3A_105, %dma_start3A_106] : memref<819200x32xf32, #tpu.memory_space<hbm>> -> memref<1600x32xf32, #tpu.memory_space<hbm>>
    %dma_start3A_108 = arith.constant 0 : i32
    %dma_start3A_109 = tpu.memref_slice %arg4[%add3A_105, %dma_start3A_108] : memref<819200x32xf32, #tpu.memory_space<hbm>> -> memref<1600x32xf32, #tpu.memory_space<hbm>>
    tpu.enqueue_dma source(%arg8 : memref<1600x32xf32, #tpu.memory_space<vmem>>) target(%dma_start3A_109 : memref<1600x32xf32, #tpu.memory_space<hbm>>) target_semaphore(%arg10 : memref<!tpu.dma_semaphore, #tpu.memory_space<semaphore_mem>>)
    %add3A_110 = arith.constant 11200 : i32
    %add3A_111 = arith.addi %mul3A_2, %add3A_110 : i32
    "tpu.region"() ({
      %run_scoped3A = tpu.sem_alloc : memref<!tpu.dma_semaphore, #tpu.memory_space<semaphore_mem>>
      %dma_start3A_289 = tpu.memref_slice %arg2[%add3A_111] : memref<819200xi32, #tpu.memory_space<hbm>> -> memref<1600xi32, #tpu.memory_space<hbm>>
      %dma_start3A_290 = tpu.memref_slice %arg2[%add3A_111] : memref<819200xi32, #tpu.memory_space<hbm>> -> memref<1600xi32, #tpu.memory_space<hbm>>
      tpu.enqueue_dma source(%dma_start3A_290 : memref<1600xi32, #tpu.memory_space<hbm>>) target(%arg6 : memref<1600xi32, #tpu.memory_space<vmem>>) target_semaphore(%run_scoped3A : memref<!tpu.dma_semaphore, #tpu.memory_space<semaphore_mem>>)
      %dma_wait3A_291 = tpu.memref_slice %arg2[%add3A_111] : memref<819200xi32, #tpu.memory_space<hbm>> -> memref<1600xi32, #tpu.memory_space<hbm>>
      %dma_wait3A_292 = tpu.memref_slice %arg2[%add3A_111] : memref<819200xi32, #tpu.memory_space<hbm>> -> memref<1600xi32, #tpu.memory_space<hbm>>
      tpu.wait_dma2 semaphore(%run_scoped3A : memref<!tpu.dma_semaphore, #tpu.memory_space<semaphore_mem>>) src(%dma_wait3A_292 : memref<1600xi32, #tpu.memory_space<hbm>>) dst(%arg6 : memref<1600xi32, #tpu.memory_space<vmem>>)
      tpu.yield
    }) : () -> ()
    %dma_wait3A_112 = arith.constant 0 : i32
    %dma_wait3A_113 = arith.constant 0 : i32
    %dma_wait3A_114 = tpu.memref_slice %arg3[%dma_wait3A_112, %dma_wait3A_113] : memref<1000000x32xf32, #tpu.memory_space<hbm>> -> memref<1000000x32xf32, #tpu.memory_space<hbm>>
    tpu.wait_indirect_dma semaphore(%arg9 : memref<!tpu.dma_semaphore, #tpu.memory_space<semaphore_mem>>) src(%dma_wait3A_114 : memref<1000000x32xf32, #tpu.memory_space<hbm>>) dst(%arg7 : memref<1600x32xf32, #tpu.memory_space<vmem>>)
    %dma_wait3A_115 = arith.constant 0 : i32
    %dma_wait3A_116 = tpu.memref_slice %arg4[%add3A_105, %dma_wait3A_115] : memref<819200x32xf32, #tpu.memory_space<hbm>> -> memref<1600x32xf32, #tpu.memory_space<hbm>>
    %dma_wait3A_117 = arith.constant 0 : i32
    %dma_wait3A_118 = tpu.memref_slice %arg4[%add3A_105, %dma_wait3A_117] : memref<819200x32xf32, #tpu.memory_space<hbm>> -> memref<1600x32xf32, #tpu.memory_space<hbm>>
    tpu.wait_dma2 semaphore(%arg10 : memref<!tpu.dma_semaphore, #tpu.memory_space<semaphore_mem>>) src(%arg8 : memref<1600x32xf32, #tpu.memory_space<vmem>>) dst(%dma_wait3A_118 : memref<1600x32xf32, #tpu.memory_space<hbm>>)
    %dma_start3A_119 = arith.constant 0 : i32
    %dma_start3A_120 = arith.constant 0 : i32
    %dma_start3A_121 = tpu.memref_slice %arg3[%dma_start3A_119, %dma_start3A_120] : memref<1000000x32xf32, #tpu.memory_space<hbm>> -> memref<1000000x32xf32, #tpu.memory_space<hbm>>
    tpu.enqueue_indirect_dma source(%dma_start3A_121 : memref<1000000x32xf32, #tpu.memory_space<hbm>>) target(%arg8 : memref<1600x32xf32, #tpu.memory_space<vmem>>) offsets(%arg6 : memref<1600xi32, #tpu.memory_space<vmem>>) semaphore(%arg9 : memref<!tpu.dma_semaphore, #tpu.memory_space<semaphore_mem>>)
    %add3A_122 = arith.constant 9600 : i32
    %add3A_123 = arith.addi %mul3A_2, %add3A_122 : i32
    %dma_start3A_124 = arith.constant 0 : i32
    %dma_start3A_125 = tpu.memref_slice %arg4[%add3A_123, %dma_start3A_124] : memref<819200x32xf32, #tpu.memory_space<hbm>> -> memref<1600x32xf32, #tpu.memory_space<hbm>>
    %dma_start3A_126 = arith.constant 0 : i32
    %dma_start3A_127 = tpu.memref_slice %arg4[%add3A_123, %dma_start3A_126] : memref<819200x32xf32, #tpu.memory_space<hbm>> -> memref<1600x32xf32, #tpu.memory_space<hbm>>
    tpu.enqueue_dma source(%arg7 : memref<1600x32xf32, #tpu.memory_space<vmem>>) target(%dma_start3A_127 : memref<1600x32xf32, #tpu.memory_space<hbm>>) target_semaphore(%arg10 : memref<!tpu.dma_semaphore, #tpu.memory_space<semaphore_mem>>)
    %add3A_128 = arith.constant 12800 : i32
    %add3A_129 = arith.addi %mul3A_2, %add3A_128 : i32
    "tpu.region"() ({
      %run_scoped3A = tpu.sem_alloc : memref<!tpu.dma_semaphore, #tpu.memory_space<semaphore_mem>>
      %dma_start3A_289 = tpu.memref_slice %arg2[%add3A_129] : memref<819200xi32, #tpu.memory_space<hbm>> -> memref<1600xi32, #tpu.memory_space<hbm>>
      %dma_start3A_290 = tpu.memref_slice %arg2[%add3A_129] : memref<819200xi32, #tpu.memory_space<hbm>> -> memref<1600xi32, #tpu.memory_space<hbm>>
      tpu.enqueue_dma source(%dma_start3A_290 : memref<1600xi32, #tpu.memory_space<hbm>>) target(%arg5 : memref<1600xi32, #tpu.memory_space<vmem>>) target_semaphore(%run_scoped3A : memref<!tpu.dma_semaphore, #tpu.memory_space<semaphore_mem>>)
      %dma_wait3A_291 = tpu.memref_slice %arg2[%add3A_129] : memref<819200xi32, #tpu.memory_space<hbm>> -> memref<1600xi32, #tpu.memory_space<hbm>>
      %dma_wait3A_292 = tpu.memref_slice %arg2[%add3A_129] : memref<819200xi32, #tpu.memory_space<hbm>> -> memref<1600xi32, #tpu.memory_space<hbm>>
      tpu.wait_dma2 semaphore(%run_scoped3A : memref<!tpu.dma_semaphore, #tpu.memory_space<semaphore_mem>>) src(%dma_wait3A_292 : memref<1600xi32, #tpu.memory_space<hbm>>) dst(%arg5 : memref<1600xi32, #tpu.memory_space<vmem>>)
      tpu.yield
    }) : () -> ()
    %dma_wait3A_130 = arith.constant 0 : i32
    %dma_wait3A_131 = arith.constant 0 : i32
    %dma_wait3A_132 = tpu.memref_slice %arg3[%dma_wait3A_130, %dma_wait3A_131] : memref<1000000x32xf32, #tpu.memory_space<hbm>> -> memref<1000000x32xf32, #tpu.memory_space<hbm>>
    tpu.wait_indirect_dma semaphore(%arg9 : memref<!tpu.dma_semaphore, #tpu.memory_space<semaphore_mem>>) src(%dma_wait3A_132 : memref<1000000x32xf32, #tpu.memory_space<hbm>>) dst(%arg8 : memref<1600x32xf32, #tpu.memory_space<vmem>>)
    %dma_wait3A_133 = arith.constant 0 : i32
    %dma_wait3A_134 = tpu.memref_slice %arg4[%add3A_123, %dma_wait3A_133] : memref<819200x32xf32, #tpu.memory_space<hbm>> -> memref<1600x32xf32, #tpu.memory_space<hbm>>
    %dma_wait3A_135 = arith.constant 0 : i32
    %dma_wait3A_136 = tpu.memref_slice %arg4[%add3A_123, %dma_wait3A_135] : memref<819200x32xf32, #tpu.memory_space<hbm>> -> memref<1600x32xf32, #tpu.memory_space<hbm>>
    tpu.wait_dma2 semaphore(%arg10 : memref<!tpu.dma_semaphore, #tpu.memory_space<semaphore_mem>>) src(%arg7 : memref<1600x32xf32, #tpu.memory_space<vmem>>) dst(%dma_wait3A_136 : memref<1600x32xf32, #tpu.memory_space<hbm>>)
    %dma_start3A_137 = arith.constant 0 : i32
    %dma_start3A_138 = arith.constant 0 : i32
    %dma_start3A_139 = tpu.memref_slice %arg3[%dma_start3A_137, %dma_start3A_138] : memref<1000000x32xf32, #tpu.memory_space<hbm>> -> memref<1000000x32xf32, #tpu.memory_space<hbm>>
    tpu.enqueue_indirect_dma source(%dma_start3A_139 : memref<1000000x32xf32, #tpu.memory_space<hbm>>) target(%arg7 : memref<1600x32xf32, #tpu.memory_space<vmem>>) offsets(%arg5 : memref<1600xi32, #tpu.memory_space<vmem>>) semaphore(%arg9 : memref<!tpu.dma_semaphore, #tpu.memory_space<semaphore_mem>>)
    %add3A_140 = arith.constant 11200 : i32
    %add3A_141 = arith.addi %mul3A_2, %add3A_140 : i32
    %dma_start3A_142 = arith.constant 0 : i32
    %dma_start3A_143 = tpu.memref_slice %arg4[%add3A_141, %dma_start3A_142] : memref<819200x32xf32, #tpu.memory_space<hbm>> -> memref<1600x32xf32, #tpu.memory_space<hbm>>
    %dma_start3A_144 = arith.constant 0 : i32
    %dma_start3A_145 = tpu.memref_slice %arg4[%add3A_141, %dma_start3A_144] : memref<819200x32xf32, #tpu.memory_space<hbm>> -> memref<1600x32xf32, #tpu.memory_space<hbm>>
    tpu.enqueue_dma source(%arg8 : memref<1600x32xf32, #tpu.memory_space<vmem>>) target(%dma_start3A_145 : memref<1600x32xf32, #tpu.memory_space<hbm>>) target_semaphore(%arg10 : memref<!tpu.dma_semaphore, #tpu.memory_space<semaphore_mem>>)
    %add3A_146 = arith.constant 14400 : i32
    %add3A_147 = arith.addi %mul3A_2, %add3A_146 : i32
    "tpu.region"() ({
      %run_scoped3A = tpu.sem_alloc : memref<!tpu.dma_semaphore, #tpu.memory_space<semaphore_mem>>
      %dma_start3A_289 = tpu.memref_slice %arg2[%add3A_147] : memref<819200xi32, #tpu.memory_space<hbm>> -> memref<1600xi32, #tpu.memory_space<hbm>>
      %dma_start3A_290 = tpu.memref_slice %arg2[%add3A_147] : memref<819200xi32, #tpu.memory_space<hbm>> -> memref<1600xi32, #tpu.memory_space<hbm>>
      tpu.enqueue_dma source(%dma_start3A_290 : memref<1600xi32, #tpu.memory_space<hbm>>) target(%arg6 : memref<1600xi32, #tpu.memory_space<vmem>>) target_semaphore(%run_scoped3A : memref<!tpu.dma_semaphore, #tpu.memory_space<semaphore_mem>>)
      %dma_wait3A_291 = tpu.memref_slice %arg2[%add3A_147] : memref<819200xi32, #tpu.memory_space<hbm>> -> memref<1600xi32, #tpu.memory_space<hbm>>
      %dma_wait3A_292 = tpu.memref_slice %arg2[%add3A_147] : memref<819200xi32, #tpu.memory_space<hbm>> -> memref<1600xi32, #tpu.memory_space<hbm>>
      tpu.wait_dma2 semaphore(%run_scoped3A : memref<!tpu.dma_semaphore, #tpu.memory_space<semaphore_mem>>) src(%dma_wait3A_292 : memref<1600xi32, #tpu.memory_space<hbm>>) dst(%arg6 : memref<1600xi32, #tpu.memory_space<vmem>>)
      tpu.yield
    }) : () -> ()
    %dma_wait3A_148 = arith.constant 0 : i32
    %dma_wait3A_149 = arith.constant 0 : i32
    %dma_wait3A_150 = tpu.memref_slice %arg3[%dma_wait3A_148, %dma_wait3A_149] : memref<1000000x32xf32, #tpu.memory_space<hbm>> -> memref<1000000x32xf32, #tpu.memory_space<hbm>>
    tpu.wait_indirect_dma semaphore(%arg9 : memref<!tpu.dma_semaphore, #tpu.memory_space<semaphore_mem>>) src(%dma_wait3A_150 : memref<1000000x32xf32, #tpu.memory_space<hbm>>) dst(%arg7 : memref<1600x32xf32, #tpu.memory_space<vmem>>)
    %dma_wait3A_151 = arith.constant 0 : i32
    %dma_wait3A_152 = tpu.memref_slice %arg4[%add3A_141, %dma_wait3A_151] : memref<819200x32xf32, #tpu.memory_space<hbm>> -> memref<1600x32xf32, #tpu.memory_space<hbm>>
    %dma_wait3A_153 = arith.constant 0 : i32
    %dma_wait3A_154 = tpu.memref_slice %arg4[%add3A_141, %dma_wait3A_153] : memref<819200x32xf32, #tpu.memory_space<hbm>> -> memref<1600x32xf32, #tpu.memory_space<hbm>>
    tpu.wait_dma2 semaphore(%arg10 : memref<!tpu.dma_semaphore, #tpu.memory_space<semaphore_mem>>) src(%arg8 : memref<1600x32xf32, #tpu.memory_space<vmem>>) dst(%dma_wait3A_154 : memref<1600x32xf32, #tpu.memory_space<hbm>>)
    %dma_start3A_155 = arith.constant 0 : i32
    %dma_start3A_156 = arith.constant 0 : i32
    %dma_start3A_157 = tpu.memref_slice %arg3[%dma_start3A_155, %dma_start3A_156] : memref<1000000x32xf32, #tpu.memory_space<hbm>> -> memref<1000000x32xf32, #tpu.memory_space<hbm>>
    tpu.enqueue_indirect_dma source(%dma_start3A_157 : memref<1000000x32xf32, #tpu.memory_space<hbm>>) target(%arg8 : memref<1600x32xf32, #tpu.memory_space<vmem>>) offsets(%arg6 : memref<1600xi32, #tpu.memory_space<vmem>>) semaphore(%arg9 : memref<!tpu.dma_semaphore, #tpu.memory_space<semaphore_mem>>)
    %add3A_158 = arith.constant 12800 : i32
    %add3A_159 = arith.addi %mul3A_2, %add3A_158 : i32
    %dma_start3A_160 = arith.constant 0 : i32
    %dma_start3A_161 = tpu.memref_slice %arg4[%add3A_159, %dma_start3A_160] : memref<819200x32xf32, #tpu.memory_space<hbm>> -> memref<1600x32xf32, #tpu.memory_space<hbm>>
    %dma_start3A_162 = arith.constant 0 : i32
    %dma_start3A_163 = tpu.memref_slice %arg4[%add3A_159, %dma_start3A_162] : memref<819200x32xf32, #tpu.memory_space<hbm>> -> memref<1600x32xf32, #tpu.memory_space<hbm>>
    tpu.enqueue_dma source(%arg7 : memref<1600x32xf32, #tpu.memory_space<vmem>>) target(%dma_start3A_163 : memref<1600x32xf32, #tpu.memory_space<hbm>>) target_semaphore(%arg10 : memref<!tpu.dma_semaphore, #tpu.memory_space<semaphore_mem>>)
    %add3A_164 = arith.constant 16000 : i32
    %add3A_165 = arith.addi %mul3A_2, %add3A_164 : i32
    "tpu.region"() ({
      %run_scoped3A = tpu.sem_alloc : memref<!tpu.dma_semaphore, #tpu.memory_space<semaphore_mem>>
      %dma_start3A_289 = tpu.memref_slice %arg2[%add3A_165] : memref<819200xi32, #tpu.memory_space<hbm>> -> memref<1600xi32, #tpu.memory_space<hbm>>
      %dma_start3A_290 = tpu.memref_slice %arg2[%add3A_165] : memref<819200xi32, #tpu.memory_space<hbm>> -> memref<1600xi32, #tpu.memory_space<hbm>>
      tpu.enqueue_dma source(%dma_start3A_290 : memref<1600xi32, #tpu.memory_space<hbm>>) target(%arg5 : memref<1600xi32, #tpu.memory_space<vmem>>) target_semaphore(%run_scoped3A : memref<!tpu.dma_semaphore, #tpu.memory_space<semaphore_mem>>)
      %dma_wait3A_291 = tpu.memref_slice %arg2[%add3A_165] : memref<819200xi32, #tpu.memory_space<hbm>> -> memref<1600xi32, #tpu.memory_space<hbm>>
      %dma_wait3A_292 = tpu.memref_slice %arg2[%add3A_165] : memref<819200xi32, #tpu.memory_space<hbm>> -> memref<1600xi32, #tpu.memory_space<hbm>>
      tpu.wait_dma2 semaphore(%run_scoped3A : memref<!tpu.dma_semaphore, #tpu.memory_space<semaphore_mem>>) src(%dma_wait3A_292 : memref<1600xi32, #tpu.memory_space<hbm>>) dst(%arg5 : memref<1600xi32, #tpu.memory_space<vmem>>)
      tpu.yield
    }) : () -> ()
    %dma_wait3A_166 = arith.constant 0 : i32
    %dma_wait3A_167 = arith.constant 0 : i32
    %dma_wait3A_168 = tpu.memref_slice %arg3[%dma_wait3A_166, %dma_wait3A_167] : memref<1000000x32xf32, #tpu.memory_space<hbm>> -> memref<1000000x32xf32, #tpu.memory_space<hbm>>
    tpu.wait_indirect_dma semaphore(%arg9 : memref<!tpu.dma_semaphore, #tpu.memory_space<semaphore_mem>>) src(%dma_wait3A_168 : memref<1000000x32xf32, #tpu.memory_space<hbm>>) dst(%arg8 : memref<1600x32xf32, #tpu.memory_space<vmem>>)
    %dma_wait3A_169 = arith.constant 0 : i32
    %dma_wait3A_170 = tpu.memref_slice %arg4[%add3A_159, %dma_wait3A_169] : memref<819200x32xf32, #tpu.memory_space<hbm>> -> memref<1600x32xf32, #tpu.memory_space<hbm>>
    %dma_wait3A_171 = arith.constant 0 : i32
    %dma_wait3A_172 = tpu.memref_slice %arg4[%add3A_159, %dma_wait3A_171] : memref<819200x32xf32, #tpu.memory_space<hbm>> -> memref<1600x32xf32, #tpu.memory_space<hbm>>
    tpu.wait_dma2 semaphore(%arg10 : memref<!tpu.dma_semaphore, #tpu.memory_space<semaphore_mem>>) src(%arg7 : memref<1600x32xf32, #tpu.memory_space<vmem>>) dst(%dma_wait3A_172 : memref<1600x32xf32, #tpu.memory_space<hbm>>)
    %dma_start3A_173 = arith.constant 0 : i32
    %dma_start3A_174 = arith.constant 0 : i32
    %dma_start3A_175 = tpu.memref_slice %arg3[%dma_start3A_173, %dma_start3A_174] : memref<1000000x32xf32, #tpu.memory_space<hbm>> -> memref<1000000x32xf32, #tpu.memory_space<hbm>>
    tpu.enqueue_indirect_dma source(%dma_start3A_175 : memref<1000000x32xf32, #tpu.memory_space<hbm>>) target(%arg7 : memref<1600x32xf32, #tpu.memory_space<vmem>>) offsets(%arg5 : memref<1600xi32, #tpu.memory_space<vmem>>) semaphore(%arg9 : memref<!tpu.dma_semaphore, #tpu.memory_space<semaphore_mem>>)
    %add3A_176 = arith.constant 14400 : i32
    %add3A_177 = arith.addi %mul3A_2, %add3A_176 : i32
    %dma_start3A_178 = arith.constant 0 : i32
    %dma_start3A_179 = tpu.memref_slice %arg4[%add3A_177, %dma_start3A_178] : memref<819200x32xf32, #tpu.memory_space<hbm>> -> memref<1600x32xf32, #tpu.memory_space<hbm>>
    %dma_start3A_180 = arith.constant 0 : i32
    %dma_start3A_181 = tpu.memref_slice %arg4[%add3A_177, %dma_start3A_180] : memref<819200x32xf32, #tpu.memory_space<hbm>> -> memref<1600x32xf32, #tpu.memory_space<hbm>>
    tpu.enqueue_dma source(%arg8 : memref<1600x32xf32, #tpu.memory_space<vmem>>) target(%dma_start3A_181 : memref<1600x32xf32, #tpu.memory_space<hbm>>) target_semaphore(%arg10 : memref<!tpu.dma_semaphore, #tpu.memory_space<semaphore_mem>>)
    %add3A_182 = arith.constant 17600 : i32
    %add3A_183 = arith.addi %mul3A_2, %add3A_182 : i32
    "tpu.region"() ({
      %run_scoped3A = tpu.sem_alloc : memref<!tpu.dma_semaphore, #tpu.memory_space<semaphore_mem>>
      %dma_start3A_289 = tpu.memref_slice %arg2[%add3A_183] : memref<819200xi32, #tpu.memory_space<hbm>> -> memref<1600xi32, #tpu.memory_space<hbm>>
      %dma_start3A_290 = tpu.memref_slice %arg2[%add3A_183] : memref<819200xi32, #tpu.memory_space<hbm>> -> memref<1600xi32, #tpu.memory_space<hbm>>
      tpu.enqueue_dma source(%dma_start3A_290 : memref<1600xi32, #tpu.memory_space<hbm>>) target(%arg6 : memref<1600xi32, #tpu.memory_space<vmem>>) target_semaphore(%run_scoped3A : memref<!tpu.dma_semaphore, #tpu.memory_space<semaphore_mem>>)
      %dma_wait3A_291 = tpu.memref_slice %arg2[%add3A_183] : memref<819200xi32, #tpu.memory_space<hbm>> -> memref<1600xi32, #tpu.memory_space<hbm>>
      %dma_wait3A_292 = tpu.memref_slice %arg2[%add3A_183] : memref<819200xi32, #tpu.memory_space<hbm>> -> memref<1600xi32, #tpu.memory_space<hbm>>
      tpu.wait_dma2 semaphore(%run_scoped3A : memref<!tpu.dma_semaphore, #tpu.memory_space<semaphore_mem>>) src(%dma_wait3A_292 : memref<1600xi32, #tpu.memory_space<hbm>>) dst(%arg6 : memref<1600xi32, #tpu.memory_space<vmem>>)
      tpu.yield
    }) : () -> ()
    %dma_wait3A_184 = arith.constant 0 : i32
    %dma_wait3A_185 = arith.constant 0 : i32
    %dma_wait3A_186 = tpu.memref_slice %arg3[%dma_wait3A_184, %dma_wait3A_185] : memref<1000000x32xf32, #tpu.memory_space<hbm>> -> memref<1000000x32xf32, #tpu.memory_space<hbm>>
    tpu.wait_indirect_dma semaphore(%arg9 : memref<!tpu.dma_semaphore, #tpu.memory_space<semaphore_mem>>) src(%dma_wait3A_186 : memref<1000000x32xf32, #tpu.memory_space<hbm>>) dst(%arg7 : memref<1600x32xf32, #tpu.memory_space<vmem>>)
    %dma_wait3A_187 = arith.constant 0 : i32
    %dma_wait3A_188 = tpu.memref_slice %arg4[%add3A_177, %dma_wait3A_187] : memref<819200x32xf32, #tpu.memory_space<hbm>> -> memref<1600x32xf32, #tpu.memory_space<hbm>>
    %dma_wait3A_189 = arith.constant 0 : i32
    %dma_wait3A_190 = tpu.memref_slice %arg4[%add3A_177, %dma_wait3A_189] : memref<819200x32xf32, #tpu.memory_space<hbm>> -> memref<1600x32xf32, #tpu.memory_space<hbm>>
    tpu.wait_dma2 semaphore(%arg10 : memref<!tpu.dma_semaphore, #tpu.memory_space<semaphore_mem>>) src(%arg8 : memref<1600x32xf32, #tpu.memory_space<vmem>>) dst(%dma_wait3A_190 : memref<1600x32xf32, #tpu.memory_space<hbm>>)
    %dma_start3A_191 = arith.constant 0 : i32
    %dma_start3A_192 = arith.constant 0 : i32
    %dma_start3A_193 = tpu.memref_slice %arg3[%dma_start3A_191, %dma_start3A_192] : memref<1000000x32xf32, #tpu.memory_space<hbm>> -> memref<1000000x32xf32, #tpu.memory_space<hbm>>
    tpu.enqueue_indirect_dma source(%dma_start3A_193 : memref<1000000x32xf32, #tpu.memory_space<hbm>>) target(%arg8 : memref<1600x32xf32, #tpu.memory_space<vmem>>) offsets(%arg6 : memref<1600xi32, #tpu.memory_space<vmem>>) semaphore(%arg9 : memref<!tpu.dma_semaphore, #tpu.memory_space<semaphore_mem>>)
    %add3A_194 = arith.constant 16000 : i32
    %add3A_195 = arith.addi %mul3A_2, %add3A_194 : i32
    %dma_start3A_196 = arith.constant 0 : i32
    %dma_start3A_197 = tpu.memref_slice %arg4[%add3A_195, %dma_start3A_196] : memref<819200x32xf32, #tpu.memory_space<hbm>> -> memref<1600x32xf32, #tpu.memory_space<hbm>>
    %dma_start3A_198 = arith.constant 0 : i32
    %dma_start3A_199 = tpu.memref_slice %arg4[%add3A_195, %dma_start3A_198] : memref<819200x32xf32, #tpu.memory_space<hbm>> -> memref<1600x32xf32, #tpu.memory_space<hbm>>
    tpu.enqueue_dma source(%arg7 : memref<1600x32xf32, #tpu.memory_space<vmem>>) target(%dma_start3A_199 : memref<1600x32xf32, #tpu.memory_space<hbm>>) target_semaphore(%arg10 : memref<!tpu.dma_semaphore, #tpu.memory_space<semaphore_mem>>)
    %add3A_200 = arith.constant 19200 : i32
    %add3A_201 = arith.addi %mul3A_2, %add3A_200 : i32
    "tpu.region"() ({
      %run_scoped3A = tpu.sem_alloc : memref<!tpu.dma_semaphore, #tpu.memory_space<semaphore_mem>>
      %dma_start3A_289 = tpu.memref_slice %arg2[%add3A_201] : memref<819200xi32, #tpu.memory_space<hbm>> -> memref<1600xi32, #tpu.memory_space<hbm>>
      %dma_start3A_290 = tpu.memref_slice %arg2[%add3A_201] : memref<819200xi32, #tpu.memory_space<hbm>> -> memref<1600xi32, #tpu.memory_space<hbm>>
      tpu.enqueue_dma source(%dma_start3A_290 : memref<1600xi32, #tpu.memory_space<hbm>>) target(%arg5 : memref<1600xi32, #tpu.memory_space<vmem>>) target_semaphore(%run_scoped3A : memref<!tpu.dma_semaphore, #tpu.memory_space<semaphore_mem>>)
      %dma_wait3A_291 = tpu.memref_slice %arg2[%add3A_201] : memref<819200xi32, #tpu.memory_space<hbm>> -> memref<1600xi32, #tpu.memory_space<hbm>>
      %dma_wait3A_292 = tpu.memref_slice %arg2[%add3A_201] : memref<819200xi32, #tpu.memory_space<hbm>> -> memref<1600xi32, #tpu.memory_space<hbm>>
      tpu.wait_dma2 semaphore(%run_scoped3A : memref<!tpu.dma_semaphore, #tpu.memory_space<semaphore_mem>>) src(%dma_wait3A_292 : memref<1600xi32, #tpu.memory_space<hbm>>) dst(%arg5 : memref<1600xi32, #tpu.memory_space<vmem>>)
      tpu.yield
    }) : () -> ()
    %dma_wait3A_202 = arith.constant 0 : i32
    %dma_wait3A_203 = arith.constant 0 : i32
    %dma_wait3A_204 = tpu.memref_slice %arg3[%dma_wait3A_202, %dma_wait3A_203] : memref<1000000x32xf32, #tpu.memory_space<hbm>> -> memref<1000000x32xf32, #tpu.memory_space<hbm>>
    tpu.wait_indirect_dma semaphore(%arg9 : memref<!tpu.dma_semaphore, #tpu.memory_space<semaphore_mem>>) src(%dma_wait3A_204 : memref<1000000x32xf32, #tpu.memory_space<hbm>>) dst(%arg8 : memref<1600x32xf32, #tpu.memory_space<vmem>>)
    %dma_wait3A_205 = arith.constant 0 : i32
    %dma_wait3A_206 = tpu.memref_slice %arg4[%add3A_195, %dma_wait3A_205] : memref<819200x32xf32, #tpu.memory_space<hbm>> -> memref<1600x32xf32, #tpu.memory_space<hbm>>
    %dma_wait3A_207 = arith.constant 0 : i32
    %dma_wait3A_208 = tpu.memref_slice %arg4[%add3A_195, %dma_wait3A_207] : memref<819200x32xf32, #tpu.memory_space<hbm>> -> memref<1600x32xf32, #tpu.memory_space<hbm>>
    tpu.wait_dma2 semaphore(%arg10 : memref<!tpu.dma_semaphore, #tpu.memory_space<semaphore_mem>>) src(%arg7 : memref<1600x32xf32, #tpu.memory_space<vmem>>) dst(%dma_wait3A_208 : memref<1600x32xf32, #tpu.memory_space<hbm>>)
    %dma_start3A_209 = arith.constant 0 : i32
    %dma_start3A_210 = arith.constant 0 : i32
    %dma_start3A_211 = tpu.memref_slice %arg3[%dma_start3A_209, %dma_start3A_210] : memref<1000000x32xf32, #tpu.memory_space<hbm>> -> memref<1000000x32xf32, #tpu.memory_space<hbm>>
    tpu.enqueue_indirect_dma source(%dma_start3A_211 : memref<1000000x32xf32, #tpu.memory_space<hbm>>) target(%arg7 : memref<1600x32xf32, #tpu.memory_space<vmem>>) offsets(%arg5 : memref<1600xi32, #tpu.memory_space<vmem>>) semaphore(%arg9 : memref<!tpu.dma_semaphore, #tpu.memory_space<semaphore_mem>>)
    %add3A_212 = arith.constant 17600 : i32
    %add3A_213 = arith.addi %mul3A_2, %add3A_212 : i32
    %dma_start3A_214 = arith.constant 0 : i32
    %dma_start3A_215 = tpu.memref_slice %arg4[%add3A_213, %dma_start3A_214] : memref<819200x32xf32, #tpu.memory_space<hbm>> -> memref<1600x32xf32, #tpu.memory_space<hbm>>
    %dma_start3A_216 = arith.constant 0 : i32
    %dma_start3A_217 = tpu.memref_slice %arg4[%add3A_213, %dma_start3A_216] : memref<819200x32xf32, #tpu.memory_space<hbm>> -> memref<1600x32xf32, #tpu.memory_space<hbm>>
    tpu.enqueue_dma source(%arg8 : memref<1600x32xf32, #tpu.memory_space<vmem>>) target(%dma_start3A_217 : memref<1600x32xf32, #tpu.memory_space<hbm>>) target_semaphore(%arg10 : memref<!tpu.dma_semaphore, #tpu.memory_space<semaphore_mem>>)
    %add3A_218 = arith.constant 20800 : i32
    %add3A_219 = arith.addi %mul3A_2, %add3A_218 : i32
    "tpu.region"() ({
      %run_scoped3A = tpu.sem_alloc : memref<!tpu.dma_semaphore, #tpu.memory_space<semaphore_mem>>
      %dma_start3A_289 = tpu.memref_slice %arg2[%add3A_219] : memref<819200xi32, #tpu.memory_space<hbm>> -> memref<1600xi32, #tpu.memory_space<hbm>>
      %dma_start3A_290 = tpu.memref_slice %arg2[%add3A_219] : memref<819200xi32, #tpu.memory_space<hbm>> -> memref<1600xi32, #tpu.memory_space<hbm>>
      tpu.enqueue_dma source(%dma_start3A_290 : memref<1600xi32, #tpu.memory_space<hbm>>) target(%arg6 : memref<1600xi32, #tpu.memory_space<vmem>>) target_semaphore(%run_scoped3A : memref<!tpu.dma_semaphore, #tpu.memory_space<semaphore_mem>>)
      %dma_wait3A_291 = tpu.memref_slice %arg2[%add3A_219] : memref<819200xi32, #tpu.memory_space<hbm>> -> memref<1600xi32, #tpu.memory_space<hbm>>
      %dma_wait3A_292 = tpu.memref_slice %arg2[%add3A_219] : memref<819200xi32, #tpu.memory_space<hbm>> -> memref<1600xi32, #tpu.memory_space<hbm>>
      tpu.wait_dma2 semaphore(%run_scoped3A : memref<!tpu.dma_semaphore, #tpu.memory_space<semaphore_mem>>) src(%dma_wait3A_292 : memref<1600xi32, #tpu.memory_space<hbm>>) dst(%arg6 : memref<1600xi32, #tpu.memory_space<vmem>>)
      tpu.yield
    }) : () -> ()
    %dma_wait3A_220 = arith.constant 0 : i32
    %dma_wait3A_221 = arith.constant 0 : i32
    %dma_wait3A_222 = tpu.memref_slice %arg3[%dma_wait3A_220, %dma_wait3A_221] : memref<1000000x32xf32, #tpu.memory_space<hbm>> -> memref<1000000x32xf32, #tpu.memory_space<hbm>>
    tpu.wait_indirect_dma semaphore(%arg9 : memref<!tpu.dma_semaphore, #tpu.memory_space<semaphore_mem>>) src(%dma_wait3A_222 : memref<1000000x32xf32, #tpu.memory_space<hbm>>) dst(%arg7 : memref<1600x32xf32, #tpu.memory_space<vmem>>)
    %dma_wait3A_223 = arith.constant 0 : i32
    %dma_wait3A_224 = tpu.memref_slice %arg4[%add3A_213, %dma_wait3A_223] : memref<819200x32xf32, #tpu.memory_space<hbm>> -> memref<1600x32xf32, #tpu.memory_space<hbm>>
    %dma_wait3A_225 = arith.constant 0 : i32
    %dma_wait3A_226 = tpu.memref_slice %arg4[%add3A_213, %dma_wait3A_225] : memref<819200x32xf32, #tpu.memory_space<hbm>> -> memref<1600x32xf32, #tpu.memory_space<hbm>>
    tpu.wait_dma2 semaphore(%arg10 : memref<!tpu.dma_semaphore, #tpu.memory_space<semaphore_mem>>) src(%arg8 : memref<1600x32xf32, #tpu.memory_space<vmem>>) dst(%dma_wait3A_226 : memref<1600x32xf32, #tpu.memory_space<hbm>>)
    %dma_start3A_227 = arith.constant 0 : i32
    %dma_start3A_228 = arith.constant 0 : i32
    %dma_start3A_229 = tpu.memref_slice %arg3[%dma_start3A_227, %dma_start3A_228] : memref<1000000x32xf32, #tpu.memory_space<hbm>> -> memref<1000000x32xf32, #tpu.memory_space<hbm>>
    tpu.enqueue_indirect_dma source(%dma_start3A_229 : memref<1000000x32xf32, #tpu.memory_space<hbm>>) target(%arg8 : memref<1600x32xf32, #tpu.memory_space<vmem>>) offsets(%arg6 : memref<1600xi32, #tpu.memory_space<vmem>>) semaphore(%arg9 : memref<!tpu.dma_semaphore, #tpu.memory_space<semaphore_mem>>)
    %add3A_230 = arith.constant 19200 : i32
    %add3A_231 = arith.addi %mul3A_2, %add3A_230 : i32
    %dma_start3A_232 = arith.constant 0 : i32
    %dma_start3A_233 = tpu.memref_slice %arg4[%add3A_231, %dma_start3A_232] : memref<819200x32xf32, #tpu.memory_space<hbm>> -> memref<1600x32xf32, #tpu.memory_space<hbm>>
    %dma_start3A_234 = arith.constant 0 : i32
    %dma_start3A_235 = tpu.memref_slice %arg4[%add3A_231, %dma_start3A_234] : memref<819200x32xf32, #tpu.memory_space<hbm>> -> memref<1600x32xf32, #tpu.memory_space<hbm>>
    tpu.enqueue_dma source(%arg7 : memref<1600x32xf32, #tpu.memory_space<vmem>>) target(%dma_start3A_235 : memref<1600x32xf32, #tpu.memory_space<hbm>>) target_semaphore(%arg10 : memref<!tpu.dma_semaphore, #tpu.memory_space<semaphore_mem>>)
    %add3A_236 = arith.constant 22400 : i32
    %add3A_237 = arith.addi %mul3A_2, %add3A_236 : i32
    "tpu.region"() ({
      %run_scoped3A = tpu.sem_alloc : memref<!tpu.dma_semaphore, #tpu.memory_space<semaphore_mem>>
      %dma_start3A_289 = tpu.memref_slice %arg2[%add3A_237] : memref<819200xi32, #tpu.memory_space<hbm>> -> memref<1600xi32, #tpu.memory_space<hbm>>
      %dma_start3A_290 = tpu.memref_slice %arg2[%add3A_237] : memref<819200xi32, #tpu.memory_space<hbm>> -> memref<1600xi32, #tpu.memory_space<hbm>>
      tpu.enqueue_dma source(%dma_start3A_290 : memref<1600xi32, #tpu.memory_space<hbm>>) target(%arg5 : memref<1600xi32, #tpu.memory_space<vmem>>) target_semaphore(%run_scoped3A : memref<!tpu.dma_semaphore, #tpu.memory_space<semaphore_mem>>)
      %dma_wait3A_291 = tpu.memref_slice %arg2[%add3A_237] : memref<819200xi32, #tpu.memory_space<hbm>> -> memref<1600xi32, #tpu.memory_space<hbm>>
      %dma_wait3A_292 = tpu.memref_slice %arg2[%add3A_237] : memref<819200xi32, #tpu.memory_space<hbm>> -> memref<1600xi32, #tpu.memory_space<hbm>>
      tpu.wait_dma2 semaphore(%run_scoped3A : memref<!tpu.dma_semaphore, #tpu.memory_space<semaphore_mem>>) src(%dma_wait3A_292 : memref<1600xi32, #tpu.memory_space<hbm>>) dst(%arg5 : memref<1600xi32, #tpu.memory_space<vmem>>)
      tpu.yield
    }) : () -> ()
    %dma_wait3A_238 = arith.constant 0 : i32
    %dma_wait3A_239 = arith.constant 0 : i32
    %dma_wait3A_240 = tpu.memref_slice %arg3[%dma_wait3A_238, %dma_wait3A_239] : memref<1000000x32xf32, #tpu.memory_space<hbm>> -> memref<1000000x32xf32, #tpu.memory_space<hbm>>
    tpu.wait_indirect_dma semaphore(%arg9 : memref<!tpu.dma_semaphore, #tpu.memory_space<semaphore_mem>>) src(%dma_wait3A_240 : memref<1000000x32xf32, #tpu.memory_space<hbm>>) dst(%arg8 : memref<1600x32xf32, #tpu.memory_space<vmem>>)
    %dma_wait3A_241 = arith.constant 0 : i32
    %dma_wait3A_242 = tpu.memref_slice %arg4[%add3A_231, %dma_wait3A_241] : memref<819200x32xf32, #tpu.memory_space<hbm>> -> memref<1600x32xf32, #tpu.memory_space<hbm>>
    %dma_wait3A_243 = arith.constant 0 : i32
    %dma_wait3A_244 = tpu.memref_slice %arg4[%add3A_231, %dma_wait3A_243] : memref<819200x32xf32, #tpu.memory_space<hbm>> -> memref<1600x32xf32, #tpu.memory_space<hbm>>
    tpu.wait_dma2 semaphore(%arg10 : memref<!tpu.dma_semaphore, #tpu.memory_space<semaphore_mem>>) src(%arg7 : memref<1600x32xf32, #tpu.memory_space<vmem>>) dst(%dma_wait3A_244 : memref<1600x32xf32, #tpu.memory_space<hbm>>)
    %dma_start3A_245 = arith.constant 0 : i32
    %dma_start3A_246 = arith.constant 0 : i32
    %dma_start3A_247 = tpu.memref_slice %arg3[%dma_start3A_245, %dma_start3A_246] : memref<1000000x32xf32, #tpu.memory_space<hbm>> -> memref<1000000x32xf32, #tpu.memory_space<hbm>>
    tpu.enqueue_indirect_dma source(%dma_start3A_247 : memref<1000000x32xf32, #tpu.memory_space<hbm>>) target(%arg7 : memref<1600x32xf32, #tpu.memory_space<vmem>>) offsets(%arg5 : memref<1600xi32, #tpu.memory_space<vmem>>) semaphore(%arg9 : memref<!tpu.dma_semaphore, #tpu.memory_space<semaphore_mem>>)
    %add3A_248 = arith.constant 20800 : i32
    %add3A_249 = arith.addi %mul3A_2, %add3A_248 : i32
    %dma_start3A_250 = arith.constant 0 : i32
    %dma_start3A_251 = tpu.memref_slice %arg4[%add3A_249, %dma_start3A_250] : memref<819200x32xf32, #tpu.memory_space<hbm>> -> memref<1600x32xf32, #tpu.memory_space<hbm>>
    %dma_start3A_252 = arith.constant 0 : i32
    %dma_start3A_253 = tpu.memref_slice %arg4[%add3A_249, %dma_start3A_252] : memref<819200x32xf32, #tpu.memory_space<hbm>> -> memref<1600x32xf32, #tpu.memory_space<hbm>>
    tpu.enqueue_dma source(%arg8 : memref<1600x32xf32, #tpu.memory_space<vmem>>) target(%dma_start3A_253 : memref<1600x32xf32, #tpu.memory_space<hbm>>) target_semaphore(%arg10 : memref<!tpu.dma_semaphore, #tpu.memory_space<semaphore_mem>>)
    %add3A_254 = arith.constant 24000 : i32
    %add3A_255 = arith.addi %mul3A_2, %add3A_254 : i32
    "tpu.region"() ({
      %run_scoped3A = tpu.sem_alloc : memref<!tpu.dma_semaphore, #tpu.memory_space<semaphore_mem>>
      %dma_start3A_289 = tpu.memref_slice %arg2[%add3A_255] : memref<819200xi32, #tpu.memory_space<hbm>> -> memref<1600xi32, #tpu.memory_space<hbm>>
      %dma_start3A_290 = tpu.memref_slice %arg2[%add3A_255] : memref<819200xi32, #tpu.memory_space<hbm>> -> memref<1600xi32, #tpu.memory_space<hbm>>
      tpu.enqueue_dma source(%dma_start3A_290 : memref<1600xi32, #tpu.memory_space<hbm>>) target(%arg6 : memref<1600xi32, #tpu.memory_space<vmem>>) target_semaphore(%run_scoped3A : memref<!tpu.dma_semaphore, #tpu.memory_space<semaphore_mem>>)
      %dma_wait3A_291 = tpu.memref_slice %arg2[%add3A_255] : memref<819200xi32, #tpu.memory_space<hbm>> -> memref<1600xi32, #tpu.memory_space<hbm>>
      %dma_wait3A_292 = tpu.memref_slice %arg2[%add3A_255] : memref<819200xi32, #tpu.memory_space<hbm>> -> memref<1600xi32, #tpu.memory_space<hbm>>
      tpu.wait_dma2 semaphore(%run_scoped3A : memref<!tpu.dma_semaphore, #tpu.memory_space<semaphore_mem>>) src(%dma_wait3A_292 : memref<1600xi32, #tpu.memory_space<hbm>>) dst(%arg6 : memref<1600xi32, #tpu.memory_space<vmem>>)
      tpu.yield
    }) : () -> ()
    %dma_wait3A_256 = arith.constant 0 : i32
    %dma_wait3A_257 = arith.constant 0 : i32
    %dma_wait3A_258 = tpu.memref_slice %arg3[%dma_wait3A_256, %dma_wait3A_257] : memref<1000000x32xf32, #tpu.memory_space<hbm>> -> memref<1000000x32xf32, #tpu.memory_space<hbm>>
    tpu.wait_indirect_dma semaphore(%arg9 : memref<!tpu.dma_semaphore, #tpu.memory_space<semaphore_mem>>) src(%dma_wait3A_258 : memref<1000000x32xf32, #tpu.memory_space<hbm>>) dst(%arg7 : memref<1600x32xf32, #tpu.memory_space<vmem>>)
    %dma_wait3A_259 = arith.constant 0 : i32
    %dma_wait3A_260 = tpu.memref_slice %arg4[%add3A_249, %dma_wait3A_259] : memref<819200x32xf32, #tpu.memory_space<hbm>> -> memref<1600x32xf32, #tpu.memory_space<hbm>>
    %dma_wait3A_261 = arith.constant 0 : i32
    %dma_wait3A_262 = tpu.memref_slice %arg4[%add3A_249, %dma_wait3A_261] : memref<819200x32xf32, #tpu.memory_space<hbm>> -> memref<1600x32xf32, #tpu.memory_space<hbm>>
    tpu.wait_dma2 semaphore(%arg10 : memref<!tpu.dma_semaphore, #tpu.memory_space<semaphore_mem>>) src(%arg8 : memref<1600x32xf32, #tpu.memory_space<vmem>>) dst(%dma_wait3A_262 : memref<1600x32xf32, #tpu.memory_space<hbm>>)
    %dma_start3A_263 = arith.constant 0 : i32
    %dma_start3A_264 = arith.constant 0 : i32
    %dma_start3A_265 = tpu.memref_slice %arg3[%dma_start3A_263, %dma_start3A_264] : memref<1000000x32xf32, #tpu.memory_space<hbm>> -> memref<1000000x32xf32, #tpu.memory_space<hbm>>
    tpu.enqueue_indirect_dma source(%dma_start3A_265 : memref<1000000x32xf32, #tpu.memory_space<hbm>>) target(%arg8 : memref<1600x32xf32, #tpu.memory_space<vmem>>) offsets(%arg6 : memref<1600xi32, #tpu.memory_space<vmem>>) semaphore(%arg9 : memref<!tpu.dma_semaphore, #tpu.memory_space<semaphore_mem>>)
    %add3A_266 = arith.constant 22400 : i32
    %add3A_267 = arith.addi %mul3A_2, %add3A_266 : i32
    %dma_start3A_268 = arith.constant 0 : i32
    %dma_start3A_269 = tpu.memref_slice %arg4[%add3A_267, %dma_start3A_268] : memref<819200x32xf32, #tpu.memory_space<hbm>> -> memref<1600x32xf32, #tpu.memory_space<hbm>>
    %dma_start3A_270 = arith.constant 0 : i32
    %dma_start3A_271 = tpu.memref_slice %arg4[%add3A_267, %dma_start3A_270] : memref<819200x32xf32, #tpu.memory_space<hbm>> -> memref<1600x32xf32, #tpu.memory_space<hbm>>
    tpu.enqueue_dma source(%arg7 : memref<1600x32xf32, #tpu.memory_space<vmem>>) target(%dma_start3A_271 : memref<1600x32xf32, #tpu.memory_space<hbm>>) target_semaphore(%arg10 : memref<!tpu.dma_semaphore, #tpu.memory_space<semaphore_mem>>)
    %dma_wait3A_272 = arith.constant 0 : i32
    %dma_wait3A_273 = arith.constant 0 : i32
    %dma_wait3A_274 = tpu.memref_slice %arg3[%dma_wait3A_272, %dma_wait3A_273] : memref<1000000x32xf32, #tpu.memory_space<hbm>> -> memref<1000000x32xf32, #tpu.memory_space<hbm>>
    tpu.wait_indirect_dma semaphore(%arg9 : memref<!tpu.dma_semaphore, #tpu.memory_space<semaphore_mem>>) src(%dma_wait3A_274 : memref<1000000x32xf32, #tpu.memory_space<hbm>>) dst(%arg8 : memref<1600x32xf32, #tpu.memory_space<vmem>>)
    %dma_wait3A_275 = arith.constant 0 : i32
    %dma_wait3A_276 = tpu.memref_slice %arg4[%add3A_267, %dma_wait3A_275] : memref<819200x32xf32, #tpu.memory_space<hbm>> -> memref<1600x32xf32, #tpu.memory_space<hbm>>
    %dma_wait3A_277 = arith.constant 0 : i32
    %dma_wait3A_278 = tpu.memref_slice %arg4[%add3A_267, %dma_wait3A_277] : memref<819200x32xf32, #tpu.memory_space<hbm>> -> memref<1600x32xf32, #tpu.memory_space<hbm>>
    tpu.wait_dma2 semaphore(%arg10 : memref<!tpu.dma_semaphore, #tpu.memory_space<semaphore_mem>>) src(%arg7 : memref<1600x32xf32, #tpu.memory_space<vmem>>) dst(%dma_wait3A_278 : memref<1600x32xf32, #tpu.memory_space<hbm>>)
    %add3A_279 = arith.constant 24000 : i32
    %add3A_280 = arith.addi %mul3A_2, %add3A_279 : i32
    %dma_start3A_281 = arith.constant 0 : i32
    %dma_start3A_282 = tpu.memref_slice %arg4[%add3A_280, %dma_start3A_281] : memref<819200x32xf32, #tpu.memory_space<hbm>> -> memref<1600x32xf32, #tpu.memory_space<hbm>>
    %dma_start3A_283 = arith.constant 0 : i32
    %dma_start3A_284 = tpu.memref_slice %arg4[%add3A_280, %dma_start3A_283] : memref<819200x32xf32, #tpu.memory_space<hbm>> -> memref<1600x32xf32, #tpu.memory_space<hbm>>
    tpu.enqueue_dma source(%arg8 : memref<1600x32xf32, #tpu.memory_space<vmem>>) target(%dma_start3A_284 : memref<1600x32xf32, #tpu.memory_space<hbm>>) target_semaphore(%arg10 : memref<!tpu.dma_semaphore, #tpu.memory_space<semaphore_mem>>)
    %dma_wait3A_285 = arith.constant 0 : i32
    %dma_wait3A_286 = tpu.memref_slice %arg4[%add3A_280, %dma_wait3A_285] : memref<819200x32xf32, #tpu.memory_space<hbm>> -> memref<1600x32xf32, #tpu.memory_space<hbm>>
    %dma_wait3A_287 = arith.constant 0 : i32
    %dma_wait3A_288 = tpu.memref_slice %arg4[%add3A_280, %dma_wait3A_287] : memref<819200x32xf32, #tpu.memory_space<hbm>> -> memref<1600x32xf32, #tpu.memory_space<hbm>>
    tpu.wait_dma2 semaphore(%arg10 : memref<!tpu.dma_semaphore, #tpu.memory_space<semaphore_mem>>) src(%arg8 : memref<1600x32xf32, #tpu.memory_space<vmem>>) dst(%dma_wait3A_288 : memref<1600x32xf32, #tpu.memory_space<hbm>>)
    return
  }
}

</mosaic_0001>

<sc_bundles>
// kernel: kernel.3.cloned.1.call-start
scs
__scs_entry_jumppad:
0x0: {  	(pc) =	sbr.rel $0x88, $3  }
0x1: {  	(tag) =	ssettag $0x0;
	lr =	simm.s32 $0x1  }
0x2: {  	[smem:$0x3F9F] =	sst lr;
	_ =	strace $0xD0000000  }
0x3: {  	_ = 	snop  }
0x4: {  	_ = 	snop  }
0x5: {  	_ = 	snop  }
0x6: {  	_ = 	snop  }
0x7: {  	_ = 	snop  }
__scs_overlays_trampoline_lowered:
0x8: {  	[smem:$0x3FAE] =	sst s0  }
0x9: {  	[smem:$0x3FAF] =	sst s1  }
0xa: {  	[smem:$0x3FB0] =	sst s2  }
0xb: {  	[smem:$0x3FB1] =	sst s3  }
0xc: {  	[smem:$0x3FB2] =	sst s4  }
0xd: {  	[smem:$0x3FB3] =	sst s5  }
0xe: {  	[smem:$0x3FB4] =	sst s6  }
0xf: {  	[smem:$0x3FB5] =	sst s7  }
0x10: {  	[smem:$0x3FB6] =	sst s8  }
0x11: {  	[smem:$0x3FB7] =	sst s9;
	s0 =	simm.s32 @!p0 $0x0  }
0x12: {  	s1 =	sld [smem:$0x3F9D];
	s0 =	simm.s32 @p0 $0x1  }
0x13: {  	[smem:$0x3FB8] =	sst s0;
	s0 =	simm.s32 @!p1 $0x0  }
0x14: {  	s2 =	sld [smem:$0x3F9C];
	s0 =	simm.s32 @p1 $0x1  }
0x15: {  	[smem:$0x3FB9] =	sst s0;
	s0 =	simm.s32 @!p2 $0x0  }
0x16: {  	s3 =	sld [smem:$0x3FDB];
	s0 =	simm.s32 @p2 $0x1  }
0x17: {  	s4 =	simm.s32 $0x1BF5;
	[smem:$0x3FBB] =	sst s0  }
0x18: {  	s0 =	sld [smem:$0x3F9E];
	_ =	swait.ge [sflag:s4], $0x0  }
0x19: {  	s7 =	sld [smem:$0x3F9F]  }
0x1a: {  	s8 =	sadd.s32 $0xFFFFE003, lr  }
0x1b: {  	s9 =	sadd.s32 $0xFFFFFEF7, lr;
	s5 =	simm.s32 $0xFFFFFFFF;
	p2 =	slt.u32 s8, $0xFFFFF086  }
0x1c: {  	p1 =	slt.u32 s9, $0xF7A;
	s5 =	simm.s32 @!p2 $0x0  }
0x1d: {  	s5 =	simm.s32 @p1 $0x1;
	p0 =	seq.s32 s7, s2  }
0x1e: {  	s7 =	smul.u32 @!p0 $0xF7A, s2;
	p2 =	seq.s32 @!p0 s5, $0x0  }
0x1f: {  	s9 =	smul.u32 $0xF7A, s1;
	s8 =	simm.s32 @!p0 $0x1BF5;
	p2 =	por !p2, p0  }
0x20: {  	[sflag:s8] =	ssyncset.s32 @!p0 $0xFFFFF086;
	s6 =	sadd.s32 @!p0 s3, s7;
	s7 =	simm.s32 @!p0 $0x108  }
0x21: {  	s3 =	sadd.s32 s3, s9;
	s6 =	sadd.s32 @!p0 $0x88, s6;
	s7 =	simm.s32 @p2 $0x1082  }
0x22: {  	[simem:s7], [sflag:s8] =	dma.local @!p0 [hbm:s6], $0xF7A  }
0x23: {  	s9 =	sor.u32 $0xD0000000, s2;
	s6 =	simm.s32 $0x108;
	_ =	swait.ge @!p0 [sflag:s8], $0x0  }
0x24: {  	s3 =	sadd.s32 $0x88, s3;
	s6 =	simm.s32 @!p1 $0x1082;
	[sflag:s4] =	ssyncset.s32 $0xFFFFF086  }
0x25: {  	[simem:s6], [sflag:s4] =	dma.local [hbm:s3], $0xF7A  }
0x26: {  	[smem:$0x3F9F] =	sst s1;
	(tag) =	ssettag s2;
	_ =	strace s9  }
0x27: {  	s1 =	sld [smem:$0x3FAF]  }
0x28: {  	s2 =	sld [smem:$0x3FB0]  }
0x29: {  	s4 =	sld [smem:$0x3FB2]  }
0x2a: {  	p0 =	seq.s32 s5, $0x0;
	s5 =	sld [smem:$0x3FB3]  }
0x2b: {  	s6 =	sld [smem:$0x3FB4]  }
0x2c: {  	s7 =	sld [smem:$0x3FB5]  }
0x2d: {  	s3 =	simm.s32 $0x108;
	s8 =	sld [smem:$0x3FB6]  }
0x2e: {  	s3 =	simm.s32 @!p0 $0x1082;
	s9 =	sld [smem:$0x3FB7]  }
0x2f: {  	lr =	sadd.s32 s0, s3;
	s0 =	sld [smem:$0x3FAE]  }
0x30: {  	s3 =	sld [smem:$0x3FB1]  }
0x31: {  	[smem:$0x3FBA] =	sst s10  }
0x32: {  	s10 =	sld [smem:$0x3FB8];
	_ =	sdelay $0x3  }
0x33: {  	p0 =	seq.s32 s10, $0x1;
	s10 =	sld [smem:$0x3FBA];
	_ =	sdelay $0x3  }
0x34: {  	[smem:$0x3FBA] =	sst s10  }
0x35: {  	s10 =	sld [smem:$0x3FB9];
	_ =	sdelay $0x3  }
0x36: {  	p1 =	seq.s32 s10, $0x1;
	s10 =	sld [smem:$0x3FBA];
	_ =	sdelay $0x3  }
0x37: {  	[smem:$0x3FBA] =	sst s10  }
0x38: {  	s10 =	sld [smem:$0x3FBB]  }
0x39: {  	_ = 	snop;
	(pc) =	sbr.ind lr, $3  }
0x3a: {  	_ = 	snop  }
0x3b: {  	_ = 	snop  }
0x3c: {  	p2 =	seq.s32 s10, $0x1;
	s10 =	sld [smem:$0x3FBA]  }
0x3d: {  	_ =	shalt  }
0x3e: {  	_ =	shalt  }
0x3f: {  	_ =	shalt  }
0x40: {  	_ =	shalt  }
0x41: {  	_ =	shalt  }
0x42: {  	_ =	shalt  }
0x43: {  	_ =	shalt  }
0x44: {  	_ =	shalt  }
0x45: {  	_ =	shalt  }
0x46: {  	_ =	shalt  }
0x47: {  	_ =	shalt  }
0x48: {  	_ =	shalt  }
0x49: {  	_ =	shalt  }
0x4a: {  	_ =	shalt  }
0x4b: {  	_ =	shalt  }
0x4c: {  	_ =	shalt  }
0x4d: {  	_ =	shalt  }
0x4e: {  	_ =	shalt  }
0x4f: {  	_ =	shalt  }
0x50: {  	_ =	shalt  }
0x51: {  	_ =	shalt  }
0x52: {  	_ =	shalt  }
0x53: {  	_ =	shalt  }
0x54: {  	_ =	shalt  }
0x55: {  	_ =	shalt  }
0x56: {  	_ =	shalt  }
0x57: {  	_ =	shalt  }
0x58: {  	_ =	shalt  }
0x59: {  	_ =	shalt  }
0x5a: {  	_ =	shalt  }
0x5b: {  	_ =	shalt  }
0x5c: {  	_ =	shalt  }
0x5d: {  	_ =	shalt  }
0x5e: {  	_ =	shalt  }
0x5f: {  	_ =	shalt  }
0x60: {  	_ =	shalt  }
0x61: {  	_ =	shalt  }
0x62: {  	_ =	shalt  }
0x63: {  	_ =	shalt  }
0x64: {  	_ =	shalt  }
0x65: {  	_ =	shalt  }
0x66: {  	_ =	shalt  }
0x67: {  	_ =	shalt  }
0x68: {  	_ =	shalt  }
0x69: {  	_ =	shalt  }
0x6a: {  	_ =	shalt  }
0x6b: {  	_ =	shalt  }
0x6c: {  	_ =	shalt  }
0x6d: {  	_ =	shalt  }
0x6e: {  	_ =	shalt  }
0x6f: {  	_ =	shalt  }
0x70: {  	_ =	shalt  }
0x71: {  	_ =	shalt  }
0x72: {  	_ =	shalt  }
0x73: {  	_ =	shalt  }
0x74: {  	_ =	shalt  }
0x75: {  	_ =	shalt  }
0x76: {  	_ =	shalt  }
0x77: {  	_ =	shalt  }
0x78: {  	_ =	shalt  }
0x79: {  	_ =	shalt  }
0x7a: {  	_ =	shalt  }
0x7b: {  	_ =	shalt  }
0x7c: {  	_ =	shalt  }
0x7d: {  	_ =	shalt  }
0x7e: {  	_ =	shalt  }
0x7f: {  	_ =	shalt  }
0x80: {  	_ =	shalt  }
0x81: {  	_ =	shalt  }
0x82: {  	_ =	shalt  }
0x83: {  	_ =	shalt  }
0x84: {  	_ =	shalt  }
0x85: {  	_ =	shalt  }
0x86: {  	_ =	shalt  }
0x87: {  	_ =	shalt  }
.Lfunc_end0:
.L_simem_size_0:
called_computation.1_lowered:
.L_overlay_start_0:
0x88: {  	s2 =	sld [smem:$0x3FD9]  }
0x89: {  	s3 =	sld [smem:$0x3FFE];
	_ =	sdelay $0x1  }
0x8a: {  	s1 =	srdreg.scid  }
0x8b: {  	s0 =	sand.u32 $0x1, s1  }
0x8c: {  	s17 =	sshll.u32 s0, $0xA;
	s2 =	sadd.s32 s3, s2  }
0x8d: {  	s2 =	sadd.s32 s2, s17  }
0x8e: {  	[smem:$0x3FC6] =	sst s2  }
0x8f: {  	_ = 	snop  }
0x90: {  	s2 =	sld [smem:$0x3FD0];
	(tm) =	ssettm $0x1  }
0x91: {  	s18 =	sld [smem:$0x3FFB];
	_ =	sdelay $0x3  }
0x92: {  	_ =	strace s18  }
0x93: {  	s3 =	sld [smem:$0x3FFC];
	_ =	sdelay $0x3  }
0x94: {  	_ =	strace s3  }
0x95: {  	s3 =	sld [smem:$0x3FFD];
	_ =	sdelay $0x3  }
0x96: {  	_ =	strace s3  }
0x97: {  	_ =	strace $0x8FFFFFFF  }
0x98: {  	s19 =	sld [smem:$0x3FDB];
	_ =	sdelay $0x1  }
0x99: {  	s4 =	simm.s32 $_scs_section_size  }
0x9a: {  	s5 =	simm.s32 $_size__tile_overlayer_lowered;
	s6 =	simm.s32 $_tile_overlayer_lowered  }
0x9b: {  	s22 =	simm.s32 $0x1BFF;
	s21 =	sshll.u32 s6, $0x1;
	s3 =	sadd.s32 s4, s19  }
0x9c: {  	s7 =	simm.s32 $0x0;
	s20 =	sshll.u32 s5, $0x1;
	s5 =	sadd.s32 s21, s3  }
0x9d: {  	[timem:s7], [sflag:s22] =	dma.local [hbm:s5], s20  }
0x9e: {  	_ =	swait.ge [sflag:s22], s20  }
0x9f: {  	s4 =	ssub.s32 $0x0, s20;
	[sflag:s22] =	ssyncset.done $0x0  }
0xa0: {  	[sflag:s22] =	ssyncadd.s32 s4;
	_ =	sdelay $0x1  }
0xa1: {  	s23 =	simm.s32 $0x1B8B  }
0xa2: {  	_ =	swait.ge [sflag:s23], $0x1  }
0xa3: {  	[sflag:s23] =	ssyncset.done $0x0  }
0xa4: {  	s25 =	simm.s32 $0x1B8E;
	s24 =	sld [smem:$0x3FFE];
	[sflag:s23] =	ssyncadd.s32 $0xFFFFFFFF  }
0xa5: {  	s26 =	simm.s32 $execute0_lowered;
	[smem:$0x3FD2] =	sst s25  }
0xa6: {  	s5 =	sshll.u32 s26, $0x1;
	_ =	strace $0x80000046;
	[dreg:$0x1] =	wrdreg $0xFFFFFFFF  }
0xa7: {  	s28 =	simm.s32 $_size_execute0_lowered;
	s3 =	sadd.s32 s3, s5;
	[dreg:$0x0] =	wrdreg $0x0  }
0xa8: {  	s5 =	sshll.u32 s28, $0x1;
	[dreg:$0x2] =	wrdreg s3  }
0xa9: {  	[dreg:$0x3] =	wrdreg s5  }
0xaa: {  	[dreg:$0x4] =	wrdreg $0xC0  }
0xab: {  	_ =	task [dreg:s7], $0x5FFFF  }
0xac: {  	[dreg:$0x1] =	wrdreg $0xFFFFFFFF  }
0xad: {  	[dreg:$0x0] =	wrdreg $0x60  }
0xae: {  	[dreg:$0x2] =	wrdreg s24  }
0xaf: {  	[dreg:$0x3] =	wrdreg s2  }
0xb0: {  	[dreg:$0x4] =	wrdreg $0x9  }
0xb1: {  	_ =	task.clear_ibuf [dreg:s7], $0x5FFFF;
	_ =	strace $0x90000046  }
0xb2: {  	s29 =	simm.s32 $0x9;
	_ =	strace $0x80000048  }
0xb3: {  	_ =	swait.ge [sflag:s29], $0x1  }
0xb4: {  	[sflag:s29] =	ssyncadd.s32 $0xFFFFFFFF  }
0xb5: {  	_ =	strace $0x90000048  }
0xb6: {  	_ =	sfence  }
0xb7: {  	s30 =	sld [smem:$0x0];
	_ =	sdelay $0x2  }
0xb8: {  	s31 =	sshll.u32 s1, $0xD;
	s1 =	sshrl.u32 s1, $0x2  }
0xb9: {  	s3 =	sand.u32 $0x4000, s31;
	s1 =	sadd.s32 s1, s30  }
0xba: {  	s0 =	sor.u32 s3, s0;
	s1 =	sshll.u32 s1, $0x11  }
0xbb: {  	s0 =	sor.u32 s1, s0  }
0xbc: {  	s0 =	sadd.s32 $0x8F2B, s0  }
0xbd: {  	[sflag:s0] =	ssyncadd.remote.s32 $0x1  }
0xbe: {  	_ =	sfence.sel $0xFFFF  }
0xbf: {  	[dreg:$0x0] =	wrdreg $0xFFFFFFFF;
	(pc) =	sbr.abs _section_cstart, $3  }
0xc0: {  	[dreg:$0x1] =	wrdreg $0xFFFFFFFF  }
0xc1: {  	_ =	task.clear_ibuf [dreg:s7], $0x2FFFF;
	_ =	strace $0x9FFFFFFF  }
0xc2: {  	(tm) =	ssettm $0x7FFFFFFF  }
0xc3: {  	_ =	shalt  }
tec
execute0_lowered:
.L_overlay_start_1:
0x0: {  	(tag) =	ssettag $0x1  }
0x1: {  	s7 =	rddreg [dreg:$0x0];
	s0 =	srdreg.scid  }
0x2: {  	s1 =	stileid.u32;
	s4 =	rddreg [dreg:$0x1];
	s2 =	simm.s32 $0x0  }
0x3: {  	p0 =	por $0x0, $0x0;
	s0 =	sand.u32 $0x1, s0;
	s3 =	sshll.u32 s1, $0x1  }
0x4: {  	[smem:$0x7FF] =	sst s2;
	s6 =	sor.u32 s0, s3;
	s0 =	ssub.s32 $0x2, s0  }
0x5: {  	_ =	strace $0x80000047;
	s5 =	smul.u32 $0x6400, s6;
	s23 =	sshrl.u32 s0, $0x1  }
0x6: {  	s3 =	sadd.s32 $0xA00, s7;
	s6 =	smul.u32 $0x19000, s6;
	s0 =	ssub.s32 s0, s23  }
0x7: {  	s15 =	sshrl.u32 s5, $0x3;
	s8 =	sadd.s32 $0x640, s5;
	s17 =	sadd.s32 $0xC80, s5  }
0x8: {  	s6 =	sadd.s32 s4, s6;
	s22 =	sadd.s32 $0x12C0, s5;
	s10 =	sadd.s32 $0x1900, s5  }
0x9: {  	[dreg:$0x13] =	wrdreg s0;
	s0 =	sadd.s32 $0x5780, s5;
	s7 =	sadd.s32 s3, s15  }
0xa: {  	s9 =	sshrl.u32 s8, $0x3;
	s18 =	sshrl.u32 s17, $0x3;
	[dreg:$0x5] =	wrdreg s6  }
0xb: {  	s20 =	sshll.u32 s8, $0x2;
	s24 =	sshrl.u32 s22, $0x3;
	s26 =	sshrl.u32 s10, $0x3  }
0xc: {  	s8 =	sadd.s32 $0x2BC0, s5;
	[dreg:$0x3] =	wrdreg s7;
	s16 =	sadd.s32 s3, s9  }
0xd: {  	s19 =	sadd.s32 s3, s18;
	s21 =	sadd.s32 s4, s20;
	s6 =	sadd.s32 s3, s24  }
0xe: {  	s9 =	sshll.u32 s17, $0x2;
	s1 =	sadd.s32 s3, s26;
	[dreg:$0x4] =	wrdreg s16  }
0xf: {  	s7 =	sshll.u32 s22, $0x2;
	s24 =	sshll.u32 s10, $0x2;
	[dreg:$0x6] =	wrdreg s19  }
0x10: {  	s13 =	sshrl.u32 s8, $0x3;
	s10 =	sadd.s32 $0x3200, s5;
	[dreg:$0x7] =	wrdreg s21  }
0x11: {  	s18 =	sadd.s32 $0x3840, s5;
	s22 =	sshrl.u32 s0, $0x3;
	[dreg:$0x8] =	wrdreg s6  }
0x12: {  	s0 =	sshll.u32 s0, $0x2;
	s25 =	sadd.s32 s4, s9;
	[dreg:$0xa] =	wrdreg s1  }
0x13: {  	s7 =	sadd.s32 s4, s7;
	s9 =	sadd.s32 $0x1F40, s5;
	s11 =	sadd.s32 s4, s24  }
0x14: {  	s26 =	sadd.s32 s3, s13;
	s14 =	sshrl.u32 s10, $0x3;
	[dreg:$0x9] =	wrdreg s25  }
0x15: {  	s13 =	sadd.s32 $0x44C0, s5;
	s1 =	sadd.s32 $0x5DC0, s5;
	[dreg:$0xb] =	wrdreg s7  }
0x16: {  	s23 =	sshrl.u32 s9, $0x3;
	s25 =	sadd.s32 $0x2580, s5;
	[dreg:$0xd] =	wrdreg s11  }
0x17: {  	s24 =	sadd.s32 s3, s14;
	s19 =	sshrl.u32 s13, $0x3;
	s11 =	sadd.s32 s3, s22  }
0x18: {  	s7 =	sshll.u32 s10, $0x2;
	s10 =	sshll.u32 s13, $0x2;
	s6 =	sadd.s32 s3, s23  }
0x19: {  	s12 =	sshrl.u32 s25, $0x3;
	s20 =	sadd.s32 s3, s19;
	s19 =	sshrl.u32 s1, $0x3  }
0x1a: {  	s23 =	sshll.u32 s9, $0x2;
	s25 =	sshll.u32 s25, $0x2;
	[dreg:$0xc] =	wrdreg s6  }
0x1b: {  	s29 =	sadd.s32 s3, s12;
	s12 =	sshrl.u32 s18, $0x3;
	[dreg:$0xf] =	wrdreg s20  }
0x1c: {  	s31 =	sadd.s32 s4, s23;
	s6 =	sshll.u32 s8, $0x2;
	s30 =	sadd.s32 s4, s25  }
0x1d: {  	s25 =	sadd.s32 s4, s7;
	s8 =	sshll.u32 s18, $0x2;
	s20 =	sadd.s32 s4, s10  }
0x1e: {  	s23 =	sadd.s32 s4, s0;
	s18 =	rddreg [dreg:$0x0];
	s10 =	simm.s32 $0x1  }
0x1f: {  	s7 =	simm.s32 $0x2;
	s15 =	sadd.s32 s3, s12;
	s12 =	sadd.s32 $0x3E80, s5  }
0x20: {  	[dreg:$0x11] =	wrdreg s15;
	s16 =	sshrl.u32 s12, $0x3;
	s15 =	sadd.s32 $0x4B00, s5  }
0x21: {  	s9 =	sshll.u32 s12, $0x2;
	s17 =	sadd.s32 s3, s16;
	s14 =	sshrl.u32 s15, $0x3  }
0x22: {  	[dreg:$0x10] =	wrdreg s17;
	s17 =	sadd.s32 s3, s14;
	s14 =	sadd.s32 $0x5140, s5  }
0x23: {  	s12 =	sshll.u32 s15, $0x2;
	s15 =	rddreg [dreg:$0x13];
	s21 =	sshrl.u32 s14, $0x3  }
0x24: {  	s13 =	sshll.u32 s14, $0x2;
	s14 =	sshll.u32 s1, $0x2;
	s1 =	smax.u32 s15, $0x1  }
0x25: {  	s0 =	rddreg [dreg:$0x3];
	s28 =	sadd.s32 s4, s6;
	p1 =	sne.s32 s1, $0x1  }
.Ltmp0:
0x26: {  	s22 =	sadd.s32 s4, s9;
	s5 =	sadd.s32 s4, s8;
	(pc) =	sbr.rel @!p1 .LBB2_3-.Ltmp0, $4  }
0x27: {  	s9 =	simm.s32 $0xD480;
	s8 =	sadd.s32 $0xF42E00, s18;
	[dreg:$0x12] =	wrdreg s5  }
0x28: {  	s15 =	simm.s32 $0x3;
	s16 =	sadd.s32 s3, s21;
	s3 =	sadd.s32 s3, s19  }
0x29: {  	s19 =	sadd.s32 s4, s12;
	s21 =	sadd.s32 s4, s13;
	s5 =	sadd.s32 s4, s14  }
0x2a: {  	s4 =	sadd.s32 $0xFFFFFFFF, s1;
	s12 =	simm.s32 $0x640;
	s13 =	simm.s32 $0xC80  }
0x2b: {  	[tilespmem:s2], [sflag:$0x3] =	stream.linear.gather [hbm4b:s0+s2], $0x640, $0x38;
	[tilespmem:$0x19C80] =	vst v63  }
0x2c: {  	_ =	swait.ge [sflag:s15], $0x640  }
0x2d: {  	[sflag:s15] =	ssyncset.done $0x0  }
0x2e: {  	[sflag:s15] =	ssyncadd.s32 $0xFFFFF9C0  }
0x2f: {  	[tilespmem:s13], [sflag:$0x1] =	stream.indirect.gather [hbm4b:s8+s12], $0x20, s2, s12, $0xb8;
	[tilespmem:$0x19C80] =	vst v63  }
0x30: {  	s14 =	rddreg [dreg:$0x4]  }
0x31: {  	[tilespmem:s12], [sflag:$0x3] =	stream.linear.gather [hbm4b:s14+s2], $0x640, $0x38;
	[tilespmem:$0x19C80] =	vst v63  }
0x32: {  	_ =	swait.ge [sflag:s15], $0x640  }
0x33: {  	[sflag:s15] =	ssyncset.done $0x0  }
0x34: {  	[sflag:s15] =	ssyncadd.s32 $0xFFFFF9C0  }
0x35: {  	_ =	swait.ge [sflag:s10], $0xC800  }
0x36: {  	[sflag:s10] =	ssyncset.done $0x0  }
0x37: {  	[sflag:s10] =	ssyncadd.s32 $0xFFFF3800  }
0x38: {  	[tilespmem:s9], [sflag:$0x1] =	stream.indirect.gather [hbm4b:s8+s12], $0x20, s12, s12, $0xb8;
	[tilespmem:$0x19C80] =	vst v63  }
0x39: {  	s18 =	rddreg [dreg:$0x5]  }
0x3a: {  	[hbm4b:s18+s2] =	stream.linear.scatter [tilespmem:s13], [sflag:$0x2], $0xC800, $0x38;
	[tilespmem:$0x19C80] =	vst v63  }
0x3b: {  	s1 =	rddreg [dreg:$0x6]  }
0x3c: {  	[tilespmem:s2], [sflag:$0x3] =	stream.linear.gather [hbm4b:s1+s2], $0x640, $0x38;
	[tilespmem:$0x19C80] =	vst v63  }
0x3d: {  	_ =	swait.ge [sflag:s15], $0x640  }
0x3e: {  	[sflag:s15] =	ssyncset.done $0x0  }
0x3f: {  	[sflag:s15] =	ssyncadd.s32 $0xFFFFF9C0  }
0x40: {  	_ =	swait.ge [sflag:s10], $0xC800  }
0x41: {  	[sflag:s10] =	ssyncset.done $0x0  }
0x42: {  	[sflag:s10] =	ssyncadd.s32 $0xFFFF3800  }
0x43: {  	_ =	swait.ge [sflag:s7], $0xC800  }
0x44: {  	[sflag:s7] =	ssyncset.done $0x0  }
0x45: {  	[sflag:s7] =	ssyncadd.s32 $0xFFFF3800  }
0x46: {  	[tilespmem:s13], [sflag:$0x1] =	stream.indirect.gather [hbm4b:s8+s12], $0x20, s2, s12, $0xb8;
	[tilespmem:$0x19C80] =	vst v63  }
0x47: {  	s1 =	rddreg [dreg:$0x7]  }
0x48: {  	[hbm4b:s1+s2] =	stream.linear.scatter [tilespmem:s9], [sflag:$0x2], $0xC800, $0x38;
	[tilespmem:$0x19C80] =	vst v63  }
0x49: {  	s6 =	rddreg [dreg:$0x8]  }
0x4a: {  	[tilespmem:s12], [sflag:$0x3] =	stream.linear.gather [hbm4b:s6+s2], $0x640, $0x38;
	[tilespmem:$0x19C80] =	vst v63  }
0x4b: {  	_ =	swait.ge [sflag:s15], $0x640  }
0x4c: {  	[sflag:s15] =	ssyncset.done $0x0  }
0x4d: {  	[sflag:s15] =	ssyncadd.s32 $0xFFFFF9C0  }
0x4e: {  	_ =	swait.ge [sflag:s10], $0xC800  }
0x4f: {  	[sflag:s10] =	ssyncset.done $0x0  }
0x50: {  	[sflag:s10] =	ssyncadd.s32 $0xFFFF3800  }
0x51: {  	_ =	swait.ge [sflag:s7], $0xC800  }
0x52: {  	[sflag:s7] =	ssyncset.done $0x0  }
0x53: {  	[sflag:s7] =	ssyncadd.s32 $0xFFFF3800  }
0x54: {  	[tilespmem:s9], [sflag:$0x1] =	stream.indirect.gather [hbm4b:s8+s12], $0x20, s12, s12, $0xb8;
	[tilespmem:$0x19C80] =	vst v63  }
0x55: {  	s14 =	rddreg [dreg:$0x9]  }
0x56: {  	[hbm4b:s14+s2] =	stream.linear.scatter [tilespmem:s13], [sflag:$0x2], $0xC800, $0x38;
	[tilespmem:$0x19C80] =	vst v63  }
0x57: {  	s18 =	rddreg [dreg:$0xa]  }
0x58: {  	[tilespmem:s2], [sflag:$0x3] =	stream.linear.gather [hbm4b:s18+s2], $0x640, $0x38;
	[tilespmem:$0x19C80] =	vst v63  }
0x59: {  	_ =	swait.ge [sflag:s15], $0x640  }
0x5a: {  	[sflag:s15] =	ssyncset.done $0x0  }
0x5b: {  	[sflag:s15] =	ssyncadd.s32 $0xFFFFF9C0  }
0x5c: {  	_ =	swait.ge [sflag:s10], $0xC800  }
0x5d: {  	[sflag:s10] =	ssyncset.done $0x0  }
0x5e: {  	[sflag:s10] =	ssyncadd.s32 $0xFFFF3800  }
0x5f: {  	_ =	swait.ge [sflag:s7], $0xC800  }
0x60: {  	[sflag:s7] =	ssyncset.done $0x0  }
0x61: {  	[sflag:s7] =	ssyncadd.s32 $0xFFFF3800  }
0x62: {  	[tilespmem:s13], [sflag:$0x1] =	stream.indirect.gather [hbm4b:s8+s12], $0x20, s2, s12, $0xb8;
	[tilespmem:$0x19C80] =	vst v63  }
0x63: {  	s6 =	rddreg [dreg:$0xb]  }
0x64: {  	[hbm4b:s6+s2] =	stream.linear.scatter [tilespmem:s9], [sflag:$0x2], $0xC800, $0x38;
	[tilespmem:$0x19C80] =	vst v63  }
0x65: {  	s14 =	rddreg [dreg:$0xc]  }
0x66: {  	[tilespmem:s12], [sflag:$0x3] =	stream.linear.gather [hbm4b:s14+s2], $0x640, $0x38;
	[tilespmem:$0x19C80] =	vst v63  }
0x67: {  	_ =	swait.ge [sflag:s15], $0x640  }
0x68: {  	[sflag:s15] =	ssyncset.done $0x0  }
0x69: {  	[sflag:s15] =	ssyncadd.s32 $0xFFFFF9C0  }
0x6a: {  	_ =	swait.ge [sflag:s10], $0xC800  }
0x6b: {  	[sflag:s10] =	ssyncset.done $0x0  }
0x6c: {  	[sflag:s10] =	ssyncadd.s32 $0xFFFF3800  }
0x6d: {  	_ =	swait.ge [sflag:s7], $0xC800  }
0x6e: {  	[sflag:s7] =	ssyncset.done $0x0  }
0x6f: {  	[sflag:s7] =	ssyncadd.s32 $0xFFFF3800  }
0x70: {  	[tilespmem:s9], [sflag:$0x1] =	stream.indirect.gather [hbm4b:s8+s12], $0x20, s12, s12, $0xb8;
	[tilespmem:$0x19C80] =	vst v63  }
0x71: {  	s18 =	rddreg [dreg:$0xd]  }
0x72: {  	[hbm4b:s18+s2] =	stream.linear.scatter [tilespmem:s13], [sflag:$0x2], $0xC800, $0x38;
	[tilespmem:$0x19C80] =	vst v63  }
0x73: {  	_ = 	snop  }
0x74: {  	[tilespmem:s2], [sflag:$0x3] =	stream.linear.gather [hbm4b:s29+s2], $0x640, $0x38;
	[tilespmem:$0x19C80] =	vst v63  }
0x75: {  	_ =	swait.ge [sflag:s15], $0x640  }
0x76: {  	[sflag:s15] =	ssyncset.done $0x0  }
0x77: {  	[sflag:s15] =	ssyncadd.s32 $0xFFFFF9C0  }
0x78: {  	_ =	swait.ge [sflag:s10], $0xC800  }
0x79: {  	[sflag:s10] =	ssyncset.done $0x0  }
0x7a: {  	[sflag:s10] =	ssyncadd.s32 $0xFFFF3800  }
0x7b: {  	_ =	swait.ge [sflag:s7], $0xC800  }
0x7c: {  	[sflag:s7] =	ssyncset.done $0x0  }
0x7d: {  	[sflag:s7] =	ssyncadd.s32 $0xFFFF3800  }
0x7e: {  	[tilespmem:s13], [sflag:$0x1] =	stream.indirect.gather [hbm4b:s8+s12], $0x20, s2, s12, $0xb8;
	[tilespmem:$0x19C80] =	vst v63  }
0x7f: {  	_ = 	snop  }
0x80: {  	[hbm4b:s31+s2] =	stream.linear.scatter [tilespmem:s9], [sflag:$0x2], $0xC800, $0x38;
	[tilespmem:$0x19C80] =	vst v63  }
0x81: {  	_ = 	snop  }
0x82: {  	[tilespmem:s12], [sflag:$0x3] =	stream.linear.gather [hbm4b:s26+s2], $0x640, $0x38;
	[tilespmem:$0x19C80] =	vst v63  }
0x83: {  	_ =	swait.ge [sflag:s15], $0x640  }
0x84: {  	[sflag:s15] =	ssyncset.done $0x0  }
0x85: {  	[sflag:s15] =	ssyncadd.s32 $0xFFFFF9C0  }
0x86: {  	_ =	swait.ge [sflag:s10], $0xC800  }
0x87: {  	[sflag:s10] =	ssyncset.done $0x0  }
0x88: {  	[sflag:s10] =	ssyncadd.s32 $0xFFFF3800  }
0x89: {  	_ =	swait.ge [sflag:s7], $0xC800  }
0x8a: {  	[sflag:s7] =	ssyncset.done $0x0  }
0x8b: {  	[sflag:s7] =	ssyncadd.s32 $0xFFFF3800  }
0x8c: {  	[tilespmem:s9], [sflag:$0x1] =	stream.indirect.gather [hbm4b:s8+s12], $0x20, s12, s12, $0xb8;
	[tilespmem:$0x19C80] =	vst v63  }
0x8d: {  	_ = 	snop  }
0x8e: {  	[hbm4b:s30+s2] =	stream.linear.scatter [tilespmem:s13], [sflag:$0x2], $0xC800, $0x38;
	[tilespmem:$0x19C80] =	vst v63  }
0x8f: {  	_ = 	snop  }
0x90: {  	[tilespmem:s2], [sflag:$0x3] =	stream.linear.gather [hbm4b:s24+s2], $0x640, $0x38;
	[tilespmem:$0x19C80] =	vst v63  }
0x91: {  	_ =	swait.ge [sflag:s15], $0x640  }
0x92: {  	[sflag:s15] =	ssyncset.done $0x0  }
0x93: {  	[sflag:s15] =	ssyncadd.s32 $0xFFFFF9C0  }
0x94: {  	_ =	swait.ge [sflag:s10], $0xC800  }
0x95: {  	[sflag:s10] =	ssyncset.done $0x0  }
0x96: {  	[sflag:s10] =	ssyncadd.s32 $0xFFFF3800  }
0x97: {  	_ =	swait.ge [sflag:s7], $0xC800  }
0x98: {  	[sflag:s7] =	ssyncset.done $0x0  }
0x99: {  	[sflag:s7] =	ssyncadd.s32 $0xFFFF3800  }
0x9a: {  	[tilespmem:s13], [sflag:$0x1] =	stream.indirect.gather [hbm4b:s8+s12], $0x20, s2, s12, $0xb8;
	[tilespmem:$0x19C80] =	vst v63  }
0x9b: {  	_ = 	snop  }
0x9c: {  	[hbm4b:s28+s2] =	stream.linear.scatter [tilespmem:s9], [sflag:$0x2], $0xC800, $0x38;
	[tilespmem:$0x19C80] =	vst v63  }
0x9d: {  	s1 =	rddreg [dreg:$0x11]  }
0x9e: {  	[tilespmem:s12], [sflag:$0x3] =	stream.linear.gather [hbm4b:s1+s2], $0x640, $0x38;
	[tilespmem:$0x19C80] =	vst v63  }
0x9f: {  	_ =	swait.ge [sflag:s15], $0x640  }
0xa0: {  	[sflag:s15] =	ssyncset.done $0x0  }
0xa1: {  	[sflag:s15] =	ssyncadd.s32 $0xFFFFF9C0  }
0xa2: {  	_ =	swait.ge [sflag:s10], $0xC800  }
0xa3: {  	[sflag:s10] =	ssyncset.done $0x0  }
0xa4: {  	[sflag:s10] =	ssyncadd.s32 $0xFFFF3800  }
0xa5: {  	_ =	swait.ge [sflag:s7], $0xC800  }
0xa6: {  	[sflag:s7] =	ssyncset.done $0x0  }
0xa7: {  	[sflag:s7] =	ssyncadd.s32 $0xFFFF3800  }
0xa8: {  	[tilespmem:s9], [sflag:$0x1] =	stream.indirect.gather [hbm4b:s8+s12], $0x20, s12, s12, $0xb8;
	[tilespmem:$0x19C80] =	vst v63  }
0xa9: {  	_ = 	snop  }
0xaa: {  	[hbm4b:s25+s2] =	stream.linear.scatter [tilespmem:s13], [sflag:$0x2], $0xC800, $0x38;
	[tilespmem:$0x19C80] =	vst v63  }
0xab: {  	s6 =	rddreg [dreg:$0x10]  }
0xac: {  	[tilespmem:s2], [sflag:$0x3] =	stream.linear.gather [hbm4b:s6+s2], $0x640, $0x38;
	[tilespmem:$0x19C80] =	vst v63  }
0xad: {  	_ =	swait.ge [sflag:s15], $0x640  }
0xae: {  	[sflag:s15] =	ssyncset.done $0x0  }
0xaf: {  	[sflag:s15] =	ssyncadd.s32 $0xFFFFF9C0  }
0xb0: {  	_ =	swait.ge [sflag:s10], $0xC800  }
0xb1: {  	[sflag:s10] =	ssyncset.done $0x0  }
0xb2: {  	[sflag:s10] =	ssyncadd.s32 $0xFFFF3800  }
0xb3: {  	_ =	swait.ge [sflag:s7], $0xC800  }
0xb4: {  	[sflag:s7] =	ssyncset.done $0x0  }
0xb5: {  	[sflag:s7] =	ssyncadd.s32 $0xFFFF3800  }
0xb6: {  	[tilespmem:s13], [sflag:$0x1] =	stream.indirect.gather [hbm4b:s8+s12], $0x20, s2, s12, $0xb8;
	[tilespmem:$0x19C80] =	vst v63  }
0xb7: {  	s14 =	rddreg [dreg:$0x12]  }
0xb8: {  	[hbm4b:s14+s2] =	stream.linear.scatter [tilespmem:s9], [sflag:$0x2], $0xC800, $0x38;
	[tilespmem:$0x19C80] =	vst v63  }
0xb9: {  	s18 =	rddreg [dreg:$0xf]  }
0xba: {  	[tilespmem:s12], [sflag:$0x3] =	stream.linear.gather [hbm4b:s18+s2], $0x640, $0x38;
	[tilespmem:$0x19C80] =	vst v63  }
0xbb: {  	_ =	swait.ge [sflag:s15], $0x640  }
0xbc: {  	[sflag:s15] =	ssyncset.done $0x0  }
0xbd: {  	[sflag:s15] =	ssyncadd.s32 $0xFFFFF9C0  }
0xbe: {  	_ =	swait.ge [sflag:s10], $0xC800  }
0xbf: {  	[sflag:s10] =	ssyncset.done $0x0  }
0xc0: {  	[sflag:s10] =	ssyncadd.s32 $0xFFFF3800  }
0xc1: {  	_ =	swait.ge [sflag:s7], $0xC800  }
0xc2: {  	[sflag:s7] =	ssyncset.done $0x0  }
0xc3: {  	[sflag:s7] =	ssyncadd.s32 $0xFFFF3800  }
0xc4: {  	[tilespmem:s9], [sflag:$0x1] =	stream.indirect.gather [hbm4b:s8+s12], $0x20, s12, s12, $0xb8;
	[tilespmem:$0x19C80] =	vst v63  }
0xc5: {  	_ = 	snop  }
0xc6: {  	[hbm4b:s22+s2] =	stream.linear.scatter [tilespmem:s13], [sflag:$0x2], $0xC800, $0x38;
	[tilespmem:$0x19C80] =	vst v63  }
0xc7: {  	_ = 	snop  }
0xc8: {  	[tilespmem:s2], [sflag:$0x3] =	stream.linear.gather [hbm4b:s17+s2], $0x640, $0x38;
	[tilespmem:$0x19C80] =	vst v63  }
0xc9: {  	_ =	swait.ge [sflag:s15], $0x640  }
0xca: {  	[sflag:s15] =	ssyncset.done $0x0  }
0xcb: {  	[sflag:s15] =	ssyncadd.s32 $0xFFFFF9C0  }
0xcc: {  	_ =	swait.ge [sflag:s10], $0xC800  }
0xcd: {  	[sflag:s10] =	ssyncset.done $0x0  }
0xce: {  	[sflag:s10] =	ssyncadd.s32 $0xFFFF3800  }
0xcf: {  	_ =	swait.ge [sflag:s7], $0xC800  }
0xd0: {  	[sflag:s7] =	ssyncset.done $0x0  }
0xd1: {  	[sflag:s7] =	ssyncadd.s32 $0xFFFF3800  }
0xd2: {  	[tilespmem:s13], [sflag:$0x1] =	stream.indirect.gather [hbm4b:s8+s12], $0x20, s2, s12, $0xb8;
	[tilespmem:$0x19C80] =	vst v63  }
0xd3: {  	_ = 	snop  }
0xd4: {  	[hbm4b:s20+s2] =	stream.linear.scatter [tilespmem:s9], [sflag:$0x2], $0xC800, $0x38;
	[tilespmem:$0x19C80] =	vst v63  }
0xd5: {  	_ = 	snop  }
0xd6: {  	[tilespmem:s12], [sflag:$0x3] =	stream.linear.gather [hbm4b:s16+s2], $0x640, $0x38;
	[tilespmem:$0x19C80] =	vst v63  }
0xd7: {  	_ =	swait.ge [sflag:s15], $0x640  }
0xd8: {  	[sflag:s15] =	ssyncset.done $0x0  }
0xd9: {  	[sflag:s15] =	ssyncadd.s32 $0xFFFFF9C0  }
0xda: {  	_ =	swait.ge [sflag:s10], $0xC800  }
0xdb: {  	[sflag:s10] =	ssyncset.done $0x0  }
0xdc: {  	[sflag:s10] =	ssyncadd.s32 $0xFFFF3800  }
0xdd: {  	_ =	swait.ge [sflag:s7], $0xC800  }
0xde: {  	[sflag:s7] =	ssyncset.done $0x0  }
0xdf: {  	[sflag:s7] =	ssyncadd.s32 $0xFFFF3800  }
0xe0: {  	[tilespmem:s9], [sflag:$0x1] =	stream.indirect.gather [hbm4b:s8+s12], $0x20, s12, s12, $0xb8;
	[tilespmem:$0x19C80] =	vst v63  }
0xe1: {  	_ = 	snop  }
0xe2: {  	[hbm4b:s19+s2] =	stream.linear.scatter [tilespmem:s13], [sflag:$0x2], $0xC800, $0x38;
	[tilespmem:$0x19C80] =	vst v63  }
0xe3: {  	_ = 	snop  }
0xe4: {  	[tilespmem:s2], [sflag:$0x3] =	stream.linear.gather [hbm4b:s11+s2], $0x640, $0x38;
	[tilespmem:$0x19C80] =	vst v63  }
0xe5: {  	_ =	swait.ge [sflag:s15], $0x640  }
0xe6: {  	[sflag:s15] =	ssyncset.done $0x0  }
0xe7: {  	[sflag:s15] =	ssyncadd.s32 $0xFFFFF9C0  }
0xe8: {  	_ =	swait.ge [sflag:s10], $0xC800  }
0xe9: {  	[sflag:s10] =	ssyncset.done $0x0  }
0xea: {  	[sflag:s10] =	ssyncadd.s32 $0xFFFF3800  }
0xeb: {  	_ =	swait.ge [sflag:s7], $0xC800  }
0xec: {  	[sflag:s7] =	ssyncset.done $0x0  }
0xed: {  	[sflag:s7] =	ssyncadd.s32 $0xFFFF3800  }
0xee: {  	[tilespmem:s13], [sflag:$0x1] =	stream.indirect.gather [hbm4b:s8+s12], $0x20, s2, s12, $0xb8;
	[tilespmem:$0x19C80] =	vst v63  }
0xef: {  	_ = 	snop  }
0xf0: {  	[hbm4b:s21+s2] =	stream.linear.scatter [tilespmem:s9], [sflag:$0x2], $0xC800, $0x38;
	[tilespmem:$0x19C80] =	vst v63  }
0xf1: {  	_ = 	snop  }
0xf2: {  	[tilespmem:s12], [sflag:$0x3] =	stream.linear.gather [hbm4b:s3+s2], $0x640, $0x38;
	[tilespmem:$0x19C80] =	vst v63  }
0xf3: {  	_ =	swait.ge [sflag:s15], $0x640  }
0xf4: {  	[sflag:s15] =	ssyncset.done $0x0  }
0xf5: {  	[sflag:s15] =	ssyncadd.s32 $0xFFFFF9C0  }
0xf6: {  	_ =	swait.ge [sflag:s10], $0xC800  }
0xf7: {  	[sflag:s10] =	ssyncset.done $0x0  }
0xf8: {  	[sflag:s10] =	ssyncadd.s32 $0xFFFF3800  }
0xf9: {  	_ =	swait.ge [sflag:s7], $0xC800  }
0xfa: {  	[sflag:s7] =	ssyncset.done $0x0  }
0xfb: {  	[sflag:s7] =	ssyncadd.s32 $0xFFFF3800  }
0xfc: {  	[tilespmem:s9], [sflag:$0x1] =	stream.indirect.gather [hbm4b:s8+s12], $0x20, s12, s12, $0xb8;
	[tilespmem:$0x19C80] =	vst v63  }
0xfd: {  	_ = 	snop  }
0xfe: {  	[hbm4b:s23+s2] =	stream.linear.scatter [tilespmem:s13], [sflag:$0x2], $0xC800, $0x38;
	[tilespmem:$0x19C80] =	vst v63  }
0xff: {  	_ =	swait.ge [sflag:s10], $0xC800  }
0x100: {  	[sflag:s10] =	ssyncset.done $0x0  }
0x101: {  	[sflag:s10] =	ssyncadd.s32 $0xFFFF3800  }
0x102: {  	p1 =	sne.s32 s4, $0x1;
	_ =	swait.ge [sflag:s7], $0xC800  }
.Ltmp1:
0x103: {  	[sflag:s7] =	ssyncset.done $0x0;
	(pc) =	sbr.rel @!p1 .LBB2_3-.Ltmp1, $4  }
0x104: {  	[sflag:s7] =	ssyncadd.s32 $0xFFFF3800  }
0x105: {  	[hbm4b:s5+s2] =	stream.linear.scatter [tilespmem:s9], [sflag:$0x2], $0xC800, $0x38;
	[tilespmem:$0x19C80] =	vst v63  }
0x106: {  	p0 =	por $0x1, $0x1;
	_ =	swait.ge [sflag:s7], $0xC800;
	[dreg:$0xe] =	wrdreg s31  }
0x107: {  	s1 =	sadd.s32 $0xFFFFFFFF, s4;
	s0 =	rddreg [dreg:$0x3];
	[sflag:s7] =	ssyncset.done $0x0  }
.LBB2_2:
0x108: {  	[sflag:s7] =	ssyncadd.s32 $0xFFFF3800  }
0x109: {  	[tilespmem:s2], [sflag:$0x3] =	stream.linear.gather [hbm4b:s0+s2], $0x640, $0x38;
	[tilespmem:$0x19C80] =	vst v63  }
0x10a: {  	_ =	swait.ge [sflag:s15], $0x640  }
0x10b: {  	[sflag:s15] =	ssyncset.done $0x0  }
0x10c: {  	[sflag:s15] =	ssyncadd.s32 $0xFFFFF9C0  }
0x10d: {  	[tilespmem:s13], [sflag:$0x1] =	stream.indirect.gather [hbm4b:s8+s12], $0x20, s2, s12, $0xb8;
	[tilespmem:$0x19C80] =	vst v63  }
0x10e: {  	s14 =	rddreg [dreg:$0x4]  }
0x10f: {  	[tilespmem:s12], [sflag:$0x3] =	stream.linear.gather [hbm4b:s14+s2], $0x640, $0x38;
	[tilespmem:$0x19C80] =	vst v63  }
0x110: {  	_ =	swait.ge [sflag:s15], $0x640  }
0x111: {  	[sflag:s15] =	ssyncset.done $0x0  }
0x112: {  	[sflag:s15] =	ssyncadd.s32 $0xFFFFF9C0  }
0x113: {  	_ =	swait.ge [sflag:s10], $0xC800  }
0x114: {  	[sflag:s10] =	ssyncset.done $0x0  }
0x115: {  	[sflag:s10] =	ssyncadd.s32 $0xFFFF3800  }
0x116: {  	[tilespmem:s9], [sflag:$0x1] =	stream.indirect.gather [hbm4b:s8+s12], $0x20, s12, s12, $0xb8;
	[tilespmem:$0x19C80] =	vst v63  }
0x117: {  	s18 =	rddreg [dreg:$0x5];
	s12 =	simm.s32 $0xC80  }
0x118: {  	[hbm4b:s18+s2] =	stream.linear.scatter [tilespmem:s12], [sflag:$0x2], $0xC800, $0x38;
	[tilespmem:$0x19C80] =	vst v63  }
0x119: {  	s14 =	rddreg [dreg:$0x6]  }
0x11a: {  	[tilespmem:s2], [sflag:$0x3] =	stream.linear.gather [hbm4b:s14+s2], $0x640, $0x38;
	[tilespmem:$0x19C80] =	vst v63  }
0x11b: {  	_ =	swait.ge [sflag:s15], $0x640  }
0x11c: {  	[sflag:s15] =	ssyncset.done $0x0  }
0x11d: {  	[sflag:s15] =	ssyncadd.s32 $0xFFFFF9C0  }
0x11e: {  	_ =	swait.ge [sflag:s10], $0xC800  }
0x11f: {  	[sflag:s10] =	ssyncset.done $0x0  }
0x120: {  	[sflag:s10] =	ssyncadd.s32 $0xFFFF3800  }
0x121: {  	_ =	swait.ge [sflag:s7], $0xC800  }
0x122: {  	p1 =	sne.s32 s1, $0x1;
	s4 =	sadd.s32 $0xFFFFFFFF, s1;
	[sflag:s7] =	ssyncset.done $0x0  }
0x123: {  	s1 =	simm.s32 $0x640;
	s31 =	smov.u32 s30;
	[sflag:s7] =	ssyncadd.s32 $0xFFFF3800  }
0x124: {  	[tilespmem:s12], [sflag:$0x1] =	stream.indirect.gather [hbm4b:s8+s1], $0x20, s2, s1, $0xb8;
	[tilespmem:$0x19C80] =	vst v63  }
0x125: {  	s30 =	smov.u32 s29;
	s13 =	simm.s32 $0xD480;
	s18 =	rddreg [dreg:$0x7]  }
0x126: {  	[hbm4b:s18+s2] =	stream.linear.scatter [tilespmem:s13], [sflag:$0x2], $0xC800, $0x38;
	[tilespmem:$0x19C80] =	vst v63  }
0x127: {  	s29 =	smov.u32 s28;
	s28 =	smov.u32 s26;
	s26 =	rddreg [dreg:$0x8]  }
0x128: {  	[tilespmem:s1], [sflag:$0x3] =	stream.linear.gather [hbm4b:s26+s2], $0x640, $0x38;
	[tilespmem:$0x19C80] =	vst v63  }
0x129: {  	_ =	swait.ge [sflag:s15], $0x640  }
0x12a: {  	[sflag:s15] =	ssyncset.done $0x0  }
0x12b: {  	[sflag:s15] =	ssyncadd.s32 $0xFFFFF9C0  }
0x12c: {  	_ =	swait.ge [sflag:s10], $0xC800  }
0x12d: {  	[sflag:s10] =	ssyncset.done $0x0  }
0x12e: {  	[sflag:s10] =	ssyncadd.s32 $0xFFFF3800  }
0x12f: {  	_ =	swait.ge [sflag:s7], $0xC800  }
0x130: {  	[sflag:s7] =	ssyncset.done $0x0  }
0x131: {  	[sflag:s7] =	ssyncadd.s32 $0xFFFF3800  }
0x132: {  	[tilespmem:s13], [sflag:$0x1] =	stream.indirect.gather [hbm4b:s8+s1], $0x20, s1, s1, $0xb8;
	[tilespmem:$0x19C80] =	vst v63  }
0x133: {  	s9 =	rddreg [dreg:$0x9]  }
0x134: {  	[hbm4b:s9+s2] =	stream.linear.scatter [tilespmem:s12], [sflag:$0x2], $0xC800, $0x38;
	[tilespmem:$0x19C80] =	vst v63  }
0x135: {  	s14 =	rddreg [dreg:$0xa]  }
0x136: {  	[tilespmem:s2], [sflag:$0x3] =	stream.linear.gather [hbm4b:s14+s2], $0x640, $0x38;
	[tilespmem:$0x19C80] =	vst v63  }
0x137: {  	_ =	swait.ge [sflag:s15], $0x640  }
0x138: {  	[sflag:s15] =	ssyncset.done $0x0  }
0x139: {  	[sflag:s15] =	ssyncadd.s32 $0xFFFFF9C0  }
0x13a: {  	_ =	swait.ge [sflag:s10], $0xC800  }
0x13b: {  	[sflag:s10] =	ssyncset.done $0x0  }
0x13c: {  	s6 =	smov.u32 s5;
	[sflag:s10] =	ssyncadd.s32 $0xFFFF3800  }
0x13d: {  	s5 =	smov.u32 s3;
	s3 =	smov.u32 s11;
	_ =	swait.ge [sflag:s7], $0xC800  }
0x13e: {  	s11 =	smov.u32 s16;
	s16 =	smov.u32 s17;
	s18 =	rddreg [dreg:$0xb]  }
0x13f: {  	s14 =	smov.u32 s21;
	[sflag:s7] =	ssyncset.done $0x0;
	s26 =	rddreg [dreg:$0xc]  }
0x140: {  	s21 =	smov.u32 s22;
	s17 =	rddreg [dreg:$0xf];
	[sflag:s7] =	ssyncadd.s32 $0xFFFF3800  }
0x141: {  	[tilespmem:s12], [sflag:$0x1] =	stream.indirect.gather [hbm4b:s8+s1], $0x20, s2, s1, $0xb8;
	[tilespmem:$0x19C80] =	vst v63  }
0x142: {  	s22 =	rddreg [dreg:$0x11];
	s1 =	smov.u32 s4;
	s12 =	simm.s32 $0x640  }
0x143: {  	s4 =	smov.u32 s5;
	s5 =	smov.u32 s23;
	s23 =	rddreg [dreg:$0x12]  }
0x144: {  	[hbm4b:s18+s2] =	stream.linear.scatter [tilespmem:s13], [sflag:$0x2], $0xC800, $0x38;
	[tilespmem:$0x19C80] =	vst v63  }
0x145: {  	s18 =	smov.u32 s19;
	s19 =	smov.u32 s20;
	s20 =	rddreg [dreg:$0x10]  }
0x146: {  	[tilespmem:s12], [sflag:$0x3] =	stream.linear.gather [hbm4b:s26+s2], $0x640, $0x38;
	[tilespmem:$0x19C80] =	vst v63  }
0x147: {  	s26 =	smov.u32 s28;
	s28 =	smov.u32 s29;
	s29 =	smov.u32 s30  }
0x148: {  	s30 =	smov.u32 s31;
	s31 =	rddreg [dreg:$0xe];
	_ =	swait.ge [sflag:s15], $0x640  }
0x149: {  	[sflag:s15] =	ssyncset.done $0x0  }
0x14a: {  	[sflag:s15] =	ssyncadd.s32 $0xFFFFF9C0  }
0x14b: {  	_ =	swait.ge [sflag:s10], $0xC800  }
0x14c: {  	[sflag:s10] =	ssyncset.done $0x0  }
0x14d: {  	[sflag:s10] =	ssyncadd.s32 $0xFFFF3800  }
0x14e: {  	_ =	swait.ge [sflag:s7], $0xC800  }
0x14f: {  	[sflag:s7] =	ssyncset.done $0x0  }
0x150: {  	s9 =	simm.s32 $0xD480;
	[sflag:s7] =	ssyncadd.s32 $0xFFFF3800  }
0x151: {  	[tilespmem:s9], [sflag:$0x1] =	stream.indirect.gather [hbm4b:s8+s12], $0x20, s12, s12, $0xb8;
	[tilespmem:$0x19C80] =	vst v63  }
0x152: {  	s13 =	simm.s32 $0xC80;
	s0 =	rddreg [dreg:$0xd]  }
0x153: {  	[hbm4b:s0+s2] =	stream.linear.scatter [tilespmem:s13], [sflag:$0x2], $0xC800, $0x38;
	[tilespmem:$0x19C80] =	vst v63  }
0x154: {  	_ = 	snop  }
0x155: {  	[tilespmem:s2], [sflag:$0x3] =	stream.linear.gather [hbm4b:s29+s2], $0x640, $0x38;
	[tilespmem:$0x19C80] =	vst v63  }
0x156: {  	_ =	swait.ge [sflag:s15], $0x640  }
0x157: {  	[sflag:s15] =	ssyncset.done $0x0  }
0x158: {  	[sflag:s15] =	ssyncadd.s32 $0xFFFFF9C0  }
0x159: {  	_ =	swait.ge [sflag:s10], $0xC800  }
0x15a: {  	[sflag:s10] =	ssyncset.done $0x0  }
0x15b: {  	[sflag:s10] =	ssyncadd.s32 $0xFFFF3800  }
0x15c: {  	_ =	swait.ge [sflag:s7], $0xC800  }
0x15d: {  	[sflag:s7] =	ssyncset.done $0x0  }
0x15e: {  	[sflag:s7] =	ssyncadd.s32 $0xFFFF3800  }
0x15f: {  	[tilespmem:s13], [sflag:$0x1] =	stream.indirect.gather [hbm4b:s8+s12], $0x20, s2, s12, $0xb8;
	[tilespmem:$0x19C80] =	vst v63  }
0x160: {  	_ = 	snop  }
0x161: {  	[hbm4b:s31+s2] =	stream.linear.scatter [tilespmem:s9], [sflag:$0x2], $0xC800, $0x38;
	[tilespmem:$0x19C80] =	vst v63  }
0x162: {  	_ = 	snop  }
0x163: {  	[tilespmem:s12], [sflag:$0x3] =	stream.linear.gather [hbm4b:s26+s2], $0x640, $0x38;
	[tilespmem:$0x19C80] =	vst v63  }
0x164: {  	_ =	swait.ge [sflag:s15], $0x640  }
0x165: {  	[sflag:s15] =	ssyncset.done $0x0  }
0x166: {  	[sflag:s15] =	ssyncadd.s32 $0xFFFFF9C0  }
0x167: {  	_ =	swait.ge [sflag:s10], $0xC800  }
0x168: {  	[sflag:s10] =	ssyncset.done $0x0  }
0x169: {  	[sflag:s10] =	ssyncadd.s32 $0xFFFF3800  }
0x16a: {  	_ =	swait.ge [sflag:s7], $0xC800  }
0x16b: {  	[sflag:s7] =	ssyncset.done $0x0  }
0x16c: {  	[sflag:s7] =	ssyncadd.s32 $0xFFFF3800  }
0x16d: {  	[tilespmem:s9], [sflag:$0x1] =	stream.indirect.gather [hbm4b:s8+s12], $0x20, s12, s12, $0xb8;
	[tilespmem:$0x19C80] =	vst v63  }
0x16e: {  	_ = 	snop  }
0x16f: {  	[hbm4b:s30+s2] =	stream.linear.scatter [tilespmem:s13], [sflag:$0x2], $0xC800, $0x38;
	[tilespmem:$0x19C80] =	vst v63  }
0x170: {  	_ = 	snop  }
0x171: {  	[tilespmem:s2], [sflag:$0x3] =	stream.linear.gather [hbm4b:s24+s2], $0x640, $0x38;
	[tilespmem:$0x19C80] =	vst v63  }
0x172: {  	_ =	swait.ge [sflag:s15], $0x640  }
0x173: {  	[sflag:s15] =	ssyncset.done $0x0  }
0x174: {  	[sflag:s15] =	ssyncadd.s32 $0xFFFFF9C0  }
0x175: {  	_ =	swait.ge [sflag:s10], $0xC800  }
0x176: {  	[sflag:s10] =	ssyncset.done $0x0  }
0x177: {  	[sflag:s10] =	ssyncadd.s32 $0xFFFF3800  }
0x178: {  	_ =	swait.ge [sflag:s7], $0xC800  }
0x179: {  	[sflag:s7] =	ssyncset.done $0x0  }
0x17a: {  	[sflag:s7] =	ssyncadd.s32 $0xFFFF3800  }
0x17b: {  	[tilespmem:s13], [sflag:$0x1] =	stream.indirect.gather [hbm4b:s8+s12], $0x20, s2, s12, $0xb8;
	[tilespmem:$0x19C80] =	vst v63  }
0x17c: {  	_ = 	snop  }
0x17d: {  	[hbm4b:s28+s2] =	stream.linear.scatter [tilespmem:s9], [sflag:$0x2], $0xC800, $0x38;
	[tilespmem:$0x19C80] =	vst v63  }
0x17e: {  	_ = 	snop  }
0x17f: {  	[tilespmem:s12], [sflag:$0x3] =	stream.linear.gather [hbm4b:s22+s2], $0x640, $0x38;
	[tilespmem:$0x19C80] =	vst v63  }
0x180: {  	_ =	swait.ge [sflag:s15], $0x640  }
0x181: {  	[sflag:s15] =	ssyncset.done $0x0  }
0x182: {  	[sflag:s15] =	ssyncadd.s32 $0xFFFFF9C0  }
0x183: {  	_ =	swait.ge [sflag:s10], $0xC800  }
0x184: {  	[sflag:s10] =	ssyncset.done $0x0  }
0x185: {  	[sflag:s10] =	ssyncadd.s32 $0xFFFF3800  }
0x186: {  	_ =	swait.ge [sflag:s7], $0xC800  }
0x187: {  	[sflag:s7] =	ssyncset.done $0x0  }
0x188: {  	[sflag:s7] =	ssyncadd.s32 $0xFFFF3800  }
0x189: {  	[tilespmem:s9], [sflag:$0x1] =	stream.indirect.gather [hbm4b:s8+s12], $0x20, s12, s12, $0xb8;
	[tilespmem:$0x19C80] =	vst v63  }
0x18a: {  	_ = 	snop  }
0x18b: {  	[hbm4b:s25+s2] =	stream.linear.scatter [tilespmem:s13], [sflag:$0x2], $0xC800, $0x38;
	[tilespmem:$0x19C80] =	vst v63  }
0x18c: {  	_ = 	snop  }
0x18d: {  	[tilespmem:s2], [sflag:$0x3] =	stream.linear.gather [hbm4b:s20+s2], $0x640, $0x38;
	[tilespmem:$0x19C80] =	vst v63  }
0x18e: {  	_ =	swait.ge [sflag:s15], $0x640  }
0x18f: {  	[sflag:s15] =	ssyncset.done $0x0  }
0x190: {  	[sflag:s15] =	ssyncadd.s32 $0xFFFFF9C0  }
0x191: {  	_ =	swait.ge [sflag:s10], $0xC800  }
0x192: {  	[sflag:s10] =	ssyncset.done $0x0  }
0x193: {  	[sflag:s10] =	ssyncadd.s32 $0xFFFF3800  }
0x194: {  	_ =	swait.ge [sflag:s7], $0xC800  }
0x195: {  	[sflag:s7] =	ssyncset.done $0x0  }
0x196: {  	[sflag:s7] =	ssyncadd.s32 $0xFFFF3800  }
0x197: {  	[tilespmem:s13], [sflag:$0x1] =	stream.indirect.gather [hbm4b:s8+s12], $0x20, s2, s12, $0xb8;
	[tilespmem:$0x19C80] =	vst v63  }
0x198: {  	_ = 	snop  }
0x199: {  	[hbm4b:s23+s2] =	stream.linear.scatter [tilespmem:s9], [sflag:$0x2], $0xC800, $0x38;
	[tilespmem:$0x19C80] =	vst v63  }
0x19a: {  	_ = 	snop  }
0x19b: {  	[tilespmem:s12], [sflag:$0x3] =	stream.linear.gather [hbm4b:s17+s2], $0x640, $0x38;
	[tilespmem:$0x19C80] =	vst v63  }
0x19c: {  	_ =	swait.ge [sflag:s15], $0x640  }
0x19d: {  	[sflag:s15] =	ssyncset.done $0x0  }
0x19e: {  	[sflag:s15] =	ssyncadd.s32 $0xFFFFF9C0  }
0x19f: {  	_ =	swait.ge [sflag:s10], $0xC800  }
0x1a0: {  	[sflag:s10] =	ssyncset.done $0x0  }
0x1a1: {  	[sflag:s10] =	ssyncadd.s32 $0xFFFF3800  }
0x1a2: {  	_ =	swait.ge [sflag:s7], $0xC800  }
0x1a3: {  	[sflag:s7] =	ssyncset.done $0x0  }
0x1a4: {  	[sflag:s7] =	ssyncadd.s32 $0xFFFF3800  }
0x1a5: {  	[tilespmem:s9], [sflag:$0x1] =	stream.indirect.gather [hbm4b:s8+s12], $0x20, s12, s12, $0xb8;
	[tilespmem:$0x19C80] =	vst v63  }
0x1a6: {  	_ = 	snop  }
0x1a7: {  	[hbm4b:s21+s2] =	stream.linear.scatter [tilespmem:s13], [sflag:$0x2], $0xC800, $0x38;
	[tilespmem:$0x19C80] =	vst v63  }
0x1a8: {  	_ = 	snop  }
0x1a9: {  	[tilespmem:s2], [sflag:$0x3] =	stream.linear.gather [hbm4b:s16+s2], $0x640, $0x38;
	[tilespmem:$0x19C80] =	vst v63  }
0x1aa: {  	_ =	swait.ge [sflag:s15], $0x640  }
0x1ab: {  	[sflag:s15] =	ssyncset.done $0x0  }
0x1ac: {  	[sflag:s15] =	ssyncadd.s32 $0xFFFFF9C0  }
0x1ad: {  	_ =	swait.ge [sflag:s10], $0xC800  }
0x1ae: {  	[sflag:s10] =	ssyncset.done $0x0  }
0x1af: {  	[sflag:s10] =	ssyncadd.s32 $0xFFFF3800  }
0x1b0: {  	_ =	swait.ge [sflag:s7], $0xC800  }
0x1b1: {  	[sflag:s7] =	ssyncset.done $0x0  }
0x1b2: {  	[sflag:s7] =	ssyncadd.s32 $0xFFFF3800  }
0x1b3: {  	[tilespmem:s13], [sflag:$0x1] =	stream.indirect.gather [hbm4b:s8+s12], $0x20, s2, s12, $0xb8;
	[tilespmem:$0x19C80] =	vst v63  }
0x1b4: {  	_ = 	snop  }
0x1b5: {  	[hbm4b:s19+s2] =	stream.linear.scatter [tilespmem:s9], [sflag:$0x2], $0xC800, $0x38;
	[tilespmem:$0x19C80] =	vst v63  }
0x1b6: {  	_ = 	snop  }
0x1b7: {  	[tilespmem:s12], [sflag:$0x3] =	stream.linear.gather [hbm4b:s11+s2], $0x640, $0x38;
	[tilespmem:$0x19C80] =	vst v63  }
0x1b8: {  	_ =	swait.ge [sflag:s15], $0x640  }
0x1b9: {  	[sflag:s15] =	ssyncset.done $0x0  }
0x1ba: {  	[sflag:s15] =	ssyncadd.s32 $0xFFFFF9C0  }
0x1bb: {  	_ =	swait.ge [sflag:s10], $0xC800  }
0x1bc: {  	[sflag:s10] =	ssyncset.done $0x0  }
0x1bd: {  	[sflag:s10] =	ssyncadd.s32 $0xFFFF3800  }
0x1be: {  	_ =	swait.ge [sflag:s7], $0xC800  }
0x1bf: {  	[sflag:s7] =	ssyncset.done $0x0  }
0x1c0: {  	[sflag:s7] =	ssyncadd.s32 $0xFFFF3800  }
0x1c1: {  	[tilespmem:s9], [sflag:$0x1] =	stream.indirect.gather [hbm4b:s8+s12], $0x20, s12, s12, $0xb8;
	[tilespmem:$0x19C80] =	vst v63  }
0x1c2: {  	_ = 	snop  }
0x1c3: {  	[hbm4b:s18+s2] =	stream.linear.scatter [tilespmem:s13], [sflag:$0x2], $0xC800, $0x38;
	[tilespmem:$0x19C80] =	vst v63  }
0x1c4: {  	_ = 	snop  }
0x1c5: {  	[tilespmem:s2], [sflag:$0x3] =	stream.linear.gather [hbm4b:s3+s2], $0x640, $0x38;
	[tilespmem:$0x19C80] =	vst v63  }
0x1c6: {  	_ =	swait.ge [sflag:s15], $0x640  }
0x1c7: {  	[sflag:s15] =	ssyncset.done $0x0  }
0x1c8: {  	[sflag:s15] =	ssyncadd.s32 $0xFFFFF9C0  }
0x1c9: {  	_ =	swait.ge [sflag:s10], $0xC800  }
0x1ca: {  	[sflag:s10] =	ssyncset.done $0x0  }
0x1cb: {  	[sflag:s10] =	ssyncadd.s32 $0xFFFF3800  }
0x1cc: {  	_ =	swait.ge [sflag:s7], $0xC800  }
0x1cd: {  	[sflag:s7] =	ssyncset.done $0x0  }
0x1ce: {  	[sflag:s7] =	ssyncadd.s32 $0xFFFF3800  }
0x1cf: {  	[tilespmem:s13], [sflag:$0x1] =	stream.indirect.gather [hbm4b:s8+s12], $0x20, s2, s12, $0xb8;
	[tilespmem:$0x19C80] =	vst v63  }
0x1d0: {  	_ = 	snop  }
0x1d1: {  	[hbm4b:s14+s2] =	stream.linear.scatter [tilespmem:s9], [sflag:$0x2], $0xC800, $0x38;
	[tilespmem:$0x19C80] =	vst v63  }
0x1d2: {  	_ = 	snop  }
0x1d3: {  	[tilespmem:s12], [sflag:$0x3] =	stream.linear.gather [hbm4b:s4+s2], $0x640, $0x38;
	[tilespmem:$0x19C80] =	vst v63  }
0x1d4: {  	_ =	swait.ge [sflag:s15], $0x640  }
0x1d5: {  	[sflag:s15] =	ssyncset.done $0x0  }
0x1d6: {  	[sflag:s15] =	ssyncadd.s32 $0xFFFFF9C0  }
0x1d7: {  	_ =	swait.ge [sflag:s10], $0xC800  }
0x1d8: {  	[sflag:s10] =	ssyncset.done $0x0  }
0x1d9: {  	[sflag:s10] =	ssyncadd.s32 $0xFFFF3800  }
0x1da: {  	_ =	swait.ge [sflag:s7], $0xC800  }
0x1db: {  	[sflag:s7] =	ssyncset.done $0x0  }
0x1dc: {  	[sflag:s7] =	ssyncadd.s32 $0xFFFF3800  }
0x1dd: {  	[tilespmem:s9], [sflag:$0x1] =	stream.indirect.gather [hbm4b:s8+s12], $0x20, s12, s12, $0xb8;
	[tilespmem:$0x19C80] =	vst v63  }
0x1de: {  	_ = 	snop  }
0x1df: {  	[hbm4b:s5+s2] =	stream.linear.scatter [tilespmem:s13], [sflag:$0x2], $0xC800, $0x38;
	[tilespmem:$0x19C80] =	vst v63  }
0x1e0: {  	_ =	swait.ge [sflag:s10], $0xC800  }
0x1e1: {  	[sflag:s10] =	ssyncset.done $0x0  }
0x1e2: {  	s22 =	smov.u32 s21;
	s20 =	smov.u32 s19;
	[sflag:s10] =	ssyncadd.s32 $0xFFFF3800  }
0x1e3: {  	s23 =	smov.u32 s5;
	s17 =	smov.u32 s16;
	_ =	swait.ge [sflag:s7], $0xC800  }
.Ltmp2:
0x1e4: {  	s21 =	smov.u32 s14;
	[sflag:s7] =	ssyncset.done $0x0;
	(pc) =	sbr.rel @p1 .LBB2_2-.Ltmp2, $4  }
0x1e5: {  	s16 =	smov.u32 s11;
	s19 =	smov.u32 s18;
	[sflag:s7] =	ssyncadd.s32 $0xFFFF3800  }
0x1e6: {  	[hbm4b:s6+s2] =	stream.linear.scatter [tilespmem:s9], [sflag:$0x2], $0xC800, $0x38;
	[tilespmem:$0x19C80] =	vst v63  }
0x1e7: {  	s11 =	smov.u32 s3;
	s3 =	smov.u32 s4;
	_ =	swait.ge [sflag:s7], $0xC800  }
0x1e8: {  	s5 =	smov.u32 s6;
	s0 =	rddreg [dreg:$0x3];
	[sflag:s7] =	ssyncset.done $0x0  }
.LBB2_3:
0x1e9: {  	[sflag:s7] =	ssyncadd.s32 @p0 $0xFFFF3800  }
0x1ea: {  	[tilespmem:s2], [sflag:$0x3] =	stream.linear.gather [hbm4b:s0+s2], $0x640, $0x38;
	[tilespmem:$0x19C80] =	vst v63  }
0x1eb: {  	_ =	swait.ge [sflag:s15], $0x640  }
0x1ec: {  	[sflag:s15] =	ssyncset.done $0x0  }
0x1ed: {  	[sflag:s15] =	ssyncadd.s32 $0xFFFFF9C0  }
0x1ee: {  	[tilespmem:s13], [sflag:$0x1] =	stream.indirect.gather [hbm4b:s8+s12], $0x20, s2, s12, $0xb8;
	[tilespmem:$0x19C80] =	vst v63  }
0x1ef: {  	s4 =	rddreg [dreg:$0x4]  }
0x1f0: {  	[tilespmem:s12], [sflag:$0x3] =	stream.linear.gather [hbm4b:s4+s2], $0x640, $0x38;
	[tilespmem:$0x19C80] =	vst v63  }
0x1f1: {  	_ =	swait.ge [sflag:s15], $0x640  }
0x1f2: {  	[sflag:s15] =	ssyncset.done $0x0  }
0x1f3: {  	[sflag:s15] =	ssyncadd.s32 $0xFFFFF9C0  }
0x1f4: {  	_ =	swait.ge [sflag:s10], $0xC800  }
0x1f5: {  	[sflag:s10] =	ssyncset.done $0x0  }
0x1f6: {  	[sflag:s10] =	ssyncadd.s32 $0xFFFF3800  }
0x1f7: {  	[tilespmem:s9], [sflag:$0x1] =	stream.indirect.gather [hbm4b:s8+s12], $0x20, s12, s12, $0xb8;
	[tilespmem:$0x19C80] =	vst v63  }
0x1f8: {  	s6 =	rddreg [dreg:$0x5]  }
0x1f9: {  	[hbm4b:s6+s2] =	stream.linear.scatter [tilespmem:s13], [sflag:$0x2], $0xC800, $0x38;
	[tilespmem:$0x19C80] =	vst v63  }
0x1fa: {  	s1 =	rddreg [dreg:$0x6]  }
0x1fb: {  	[tilespmem:s2], [sflag:$0x3] =	stream.linear.gather [hbm4b:s1+s2], $0x640, $0x38;
	[tilespmem:$0x19C80] =	vst v63  }
0x1fc: {  	_ =	swait.ge [sflag:s15], $0x640  }
0x1fd: {  	[sflag:s15] =	ssyncset.done $0x0  }
0x1fe: {  	[sflag:s15] =	ssyncadd.s32 $0xFFFFF9C0  }
0x1ff: {  	_ =	swait.ge [sflag:s10], $0xC800  }
0x200: {  	[sflag:s10] =	ssyncset.done $0x0  }
0x201: {  	[sflag:s10] =	ssyncadd.s32 $0xFFFF3800  }
0x202: {  	_ =	swait.ge [sflag:s7], $0xC800  }
0x203: {  	[sflag:s7] =	ssyncset.done $0x0  }
0x204: {  	[sflag:s7] =	ssyncadd.s32 $0xFFFF3800  }
0x205: {  	[tilespmem:s13], [sflag:$0x1] =	stream.indirect.gather [hbm4b:s8+s12], $0x20, s2, s12, $0xb8;
	[tilespmem:$0x19C80] =	vst v63  }
0x206: {  	s14 =	rddreg [dreg:$0x7]  }
0x207: {  	[hbm4b:s14+s2] =	stream.linear.scatter [tilespmem:s9], [sflag:$0x2], $0xC800, $0x38;
	[tilespmem:$0x19C80] =	vst v63  }
0x208: {  	s18 =	rddreg [dreg:$0x8]  }
0x209: {  	[tilespmem:s12], [sflag:$0x3] =	stream.linear.gather [hbm4b:s18+s2], $0x640, $0x38;
	[tilespmem:$0x19C80] =	vst v63  }
0x20a: {  	_ =	swait.ge [sflag:s15], $0x640  }
0x20b: {  	[sflag:s15] =	ssyncset.done $0x0  }
0x20c: {  	[sflag:s15] =	ssyncadd.s32 $0xFFFFF9C0  }
0x20d: {  	_ =	swait.ge [sflag:s10], $0xC800  }
0x20e: {  	[sflag:s10] =	ssyncset.done $0x0  }
0x20f: {  	[sflag:s10] =	ssyncadd.s32 $0xFFFF3800  }
0x210: {  	_ =	swait.ge [sflag:s7], $0xC800  }
0x211: {  	[sflag:s7] =	ssyncset.done $0x0  }
0x212: {  	[sflag:s7] =	ssyncadd.s32 $0xFFFF3800  }
0x213: {  	[tilespmem:s9], [sflag:$0x1] =	stream.indirect.gather [hbm4b:s8+s12], $0x20, s12, s12, $0xb8;
	[tilespmem:$0x19C80] =	vst v63  }
0x214: {  	s1 =	rddreg [dreg:$0x9]  }
0x215: {  	[hbm4b:s1+s2] =	stream.linear.scatter [tilespmem:s13], [sflag:$0x2], $0xC800, $0x38;
	[tilespmem:$0x19C80] =	vst v63  }
0x216: {  	s4 =	rddreg [dreg:$0xa]  }
0x217: {  	[tilespmem:s2], [sflag:$0x3] =	stream.linear.gather [hbm4b:s4+s2], $0x640, $0x38;
	[tilespmem:$0x19C80] =	vst v63  }
0x218: {  	_ =	swait.ge [sflag:s15], $0x640  }
0x219: {  	[sflag:s15] =	ssyncset.done $0x0  }
0x21a: {  	[sflag:s15] =	ssyncadd.s32 $0xFFFFF9C0  }
0x21b: {  	_ =	swait.ge [sflag:s10], $0xC800  }
0x21c: {  	[sflag:s10] =	ssyncset.done $0x0  }
0x21d: {  	[sflag:s10] =	ssyncadd.s32 $0xFFFF3800  }
0x21e: {  	_ =	swait.ge [sflag:s7], $0xC800  }
0x21f: {  	[sflag:s7] =	ssyncset.done $0x0  }
0x220: {  	[sflag:s7] =	ssyncadd.s32 $0xFFFF3800  }
0x221: {  	[tilespmem:s13], [sflag:$0x1] =	stream.indirect.gather [hbm4b:s8+s12], $0x20, s2, s12, $0xb8;
	[tilespmem:$0x19C80] =	vst v63  }
0x222: {  	s6 =	rddreg [dreg:$0xb]  }
0x223: {  	[hbm4b:s6+s2] =	stream.linear.scatter [tilespmem:s9], [sflag:$0x2], $0xC800, $0x38;
	[tilespmem:$0x19C80] =	vst v63  }
0x224: {  	s14 =	rddreg [dreg:$0xc]  }
0x225: {  	[tilespmem:s12], [sflag:$0x3] =	stream.linear.gather [hbm4b:s14+s2], $0x640, $0x38;
	[tilespmem:$0x19C80] =	vst v63  }
0x226: {  	_ =	swait.ge [sflag:s15], $0x640  }
0x227: {  	[sflag:s15] =	ssyncset.done $0x0  }
0x228: {  	[sflag:s15] =	ssyncadd.s32 $0xFFFFF9C0  }
0x229: {  	_ =	swait.ge [sflag:s10], $0xC800  }
0x22a: {  	[sflag:s10] =	ssyncset.done $0x0  }
0x22b: {  	[sflag:s10] =	ssyncadd.s32 $0xFFFF3800  }
0x22c: {  	_ =	swait.ge [sflag:s7], $0xC800  }
0x22d: {  	[sflag:s7] =	ssyncset.done $0x0  }
0x22e: {  	[sflag:s7] =	ssyncadd.s32 $0xFFFF3800  }
0x22f: {  	[tilespmem:s9], [sflag:$0x1] =	stream.indirect.gather [hbm4b:s8+s12], $0x20, s12, s12, $0xb8;
	[tilespmem:$0x19C80] =	vst v63  }
0x230: {  	s18 =	rddreg [dreg:$0xd]  }
0x231: {  	[hbm4b:s18+s2] =	stream.linear.scatter [tilespmem:s13], [sflag:$0x2], $0xC800, $0x38;
	[tilespmem:$0x19C80] =	vst v63  }
0x232: {  	_ = 	snop  }
0x233: {  	[tilespmem:s2], [sflag:$0x3] =	stream.linear.gather [hbm4b:s29+s2], $0x640, $0x38;
	[tilespmem:$0x19C80] =	vst v63  }
0x234: {  	_ =	swait.ge [sflag:s15], $0x640  }
0x235: {  	[sflag:s15] =	ssyncset.done $0x0  }
0x236: {  	[sflag:s15] =	ssyncadd.s32 $0xFFFFF9C0  }
0x237: {  	_ =	swait.ge [sflag:s10], $0xC800  }
0x238: {  	[sflag:s10] =	ssyncset.done $0x0  }
0x239: {  	[sflag:s10] =	ssyncadd.s32 $0xFFFF3800  }
0x23a: {  	_ =	swait.ge [sflag:s7], $0xC800  }
0x23b: {  	[sflag:s7] =	ssyncset.done $0x0  }
0x23c: {  	[sflag:s7] =	ssyncadd.s32 $0xFFFF3800  }
0x23d: {  	[tilespmem:s13], [sflag:$0x1] =	stream.indirect.gather [hbm4b:s8+s12], $0x20, s2, s12, $0xb8;
	[tilespmem:$0x19C80] =	vst v63  }
0x23e: {  	_ = 	snop  }
0x23f: {  	[hbm4b:s31+s2] =	stream.linear.scatter [tilespmem:s9], [sflag:$0x2], $0xC800, $0x38;
	[tilespmem:$0x19C80] =	vst v63  }
0x240: {  	_ = 	snop  }
0x241: {  	[tilespmem:s12], [sflag:$0x3] =	stream.linear.gather [hbm4b:s26+s2], $0x640, $0x38;
	[tilespmem:$0x19C80] =	vst v63  }
0x242: {  	_ =	swait.ge [sflag:s15], $0x640  }
0x243: {  	[sflag:s15] =	ssyncset.done $0x0  }
0x244: {  	[sflag:s15] =	ssyncadd.s32 $0xFFFFF9C0  }
0x245: {  	_ =	swait.ge [sflag:s10], $0xC800  }
0x246: {  	[sflag:s10] =	ssyncset.done $0x0  }
0x247: {  	[sflag:s10] =	ssyncadd.s32 $0xFFFF3800  }
0x248: {  	_ =	swait.ge [sflag:s7], $0xC800  }
0x249: {  	[sflag:s7] =	ssyncset.done $0x0  }
0x24a: {  	[sflag:s7] =	ssyncadd.s32 $0xFFFF3800  }
0x24b: {  	[tilespmem:s9], [sflag:$0x1] =	stream.indirect.gather [hbm4b:s8+s12], $0x20, s12, s12, $0xb8;
	[tilespmem:$0x19C80] =	vst v63  }
0x24c: {  	_ = 	snop  }
0x24d: {  	[hbm4b:s30+s2] =	stream.linear.scatter [tilespmem:s13], [sflag:$0x2], $0xC800, $0x38;
	[tilespmem:$0x19C80] =	vst v63  }
0x24e: {  	_ = 	snop  }
0x24f: {  	[tilespmem:s2], [sflag:$0x3] =	stream.linear.gather [hbm4b:s24+s2], $0x640, $0x38;
	[tilespmem:$0x19C80] =	vst v63  }
0x250: {  	_ =	swait.ge [sflag:s15], $0x640  }
0x251: {  	[sflag:s15] =	ssyncset.done $0x0  }
0x252: {  	[sflag:s15] =	ssyncadd.s32 $0xFFFFF9C0  }
0x253: {  	_ =	swait.ge [sflag:s10], $0xC800  }
0x254: {  	[sflag:s10] =	ssyncset.done $0x0  }
0x255: {  	[sflag:s10] =	ssyncadd.s32 $0xFFFF3800  }
0x256: {  	_ =	swait.ge [sflag:s7], $0xC800  }
0x257: {  	[sflag:s7] =	ssyncset.done $0x0  }
0x258: {  	[sflag:s7] =	ssyncadd.s32 $0xFFFF3800  }
0x259: {  	[tilespmem:s13], [sflag:$0x1] =	stream.indirect.gather [hbm4b:s8+s12], $0x20, s2, s12, $0xb8;
	[tilespmem:$0x19C80] =	vst v63  }
0x25a: {  	_ = 	snop  }
0x25b: {  	[hbm4b:s28+s2] =	stream.linear.scatter [tilespmem:s9], [sflag:$0x2], $0xC800, $0x38;
	[tilespmem:$0x19C80] =	vst v63  }
0x25c: {  	s26 =	rddreg [dreg:$0x11]  }
0x25d: {  	[tilespmem:s12], [sflag:$0x3] =	stream.linear.gather [hbm4b:s26+s2], $0x640, $0x38;
	[tilespmem:$0x19C80] =	vst v63  }
0x25e: {  	_ =	swait.ge [sflag:s15], $0x640  }
0x25f: {  	[sflag:s15] =	ssyncset.done $0x0  }
0x260: {  	[sflag:s15] =	ssyncadd.s32 $0xFFFFF9C0  }
0x261: {  	_ =	swait.ge [sflag:s10], $0xC800  }
0x262: {  	[sflag:s10] =	ssyncset.done $0x0  }
0x263: {  	[sflag:s10] =	ssyncadd.s32 $0xFFFF3800  }
0x264: {  	_ =	swait.ge [sflag:s7], $0xC800  }
0x265: {  	[sflag:s7] =	ssyncset.done $0x0  }
0x266: {  	[sflag:s7] =	ssyncadd.s32 $0xFFFF3800  }
0x267: {  	[tilespmem:s9], [sflag:$0x1] =	stream.indirect.gather [hbm4b:s8+s12], $0x20, s12, s12, $0xb8;
	[tilespmem:$0x19C80] =	vst v63  }
0x268: {  	_ = 	snop  }
0x269: {  	[hbm4b:s25+s2] =	stream.linear.scatter [tilespmem:s13], [sflag:$0x2], $0xC800, $0x38;
	[tilespmem:$0x19C80] =	vst v63  }
0x26a: {  	s28 =	rddreg [dreg:$0x10]  }
0x26b: {  	[tilespmem:s2], [sflag:$0x3] =	stream.linear.gather [hbm4b:s28+s2], $0x640, $0x38;
	[tilespmem:$0x19C80] =	vst v63  }
0x26c: {  	_ =	swait.ge [sflag:s15], $0x640  }
0x26d: {  	[sflag:s15] =	ssyncset.done $0x0  }
0x26e: {  	[sflag:s15] =	ssyncadd.s32 $0xFFFFF9C0  }
0x26f: {  	_ =	swait.ge [sflag:s10], $0xC800  }
0x270: {  	[sflag:s10] =	ssyncset.done $0x0  }
0x271: {  	[sflag:s10] =	ssyncadd.s32 $0xFFFF3800  }
0x272: {  	_ =	swait.ge [sflag:s7], $0xC800  }
0x273: {  	[sflag:s7] =	ssyncset.done $0x0  }
0x274: {  	[sflag:s7] =	ssyncadd.s32 $0xFFFF3800  }
0x275: {  	[tilespmem:s13], [sflag:$0x1] =	stream.indirect.gather [hbm4b:s8+s12], $0x20, s2, s12, $0xb8;
	[tilespmem:$0x19C80] =	vst v63  }
0x276: {  	s29 =	rddreg [dreg:$0x12]  }
0x277: {  	[hbm4b:s29+s2] =	stream.linear.scatter [tilespmem:s9], [sflag:$0x2], $0xC800, $0x38;
	[tilespmem:$0x19C80] =	vst v63  }
0x278: {  	s30 =	rddreg [dreg:$0xf]  }
0x279: {  	[tilespmem:s12], [sflag:$0x3] =	stream.linear.gather [hbm4b:s30+s2], $0x640, $0x38;
	[tilespmem:$0x19C80] =	vst v63  }
0x27a: {  	_ =	swait.ge [sflag:s15], $0x640  }
0x27b: {  	[sflag:s15] =	ssyncset.done $0x0  }
0x27c: {  	[sflag:s15] =	ssyncadd.s32 $0xFFFFF9C0  }
0x27d: {  	_ =	swait.ge [sflag:s10], $0xC800  }
0x27e: {  	[sflag:s10] =	ssyncset.done $0x0  }
0x27f: {  	[sflag:s10] =	ssyncadd.s32 $0xFFFF3800  }
0x280: {  	_ =	swait.ge [sflag:s7], $0xC800  }
0x281: {  	[sflag:s7] =	ssyncset.done $0x0  }
0x282: {  	[sflag:s7] =	ssyncadd.s32 $0xFFFF3800  }
0x283: {  	[tilespmem:s9], [sflag:$0x1] =	stream.indirect.gather [hbm4b:s8+s12], $0x20, s12, s12, $0xb8;
	[tilespmem:$0x19C80] =	vst v63  }
0x284: {  	_ = 	snop  }
0x285: {  	[hbm4b:s22+s2] =	stream.linear.scatter [tilespmem:s13], [sflag:$0x2], $0xC800, $0x38;
	[tilespmem:$0x19C80] =	vst v63  }
0x286: {  	_ = 	snop  }
0x287: {  	[tilespmem:s2], [sflag:$0x3] =	stream.linear.gather [hbm4b:s17+s2], $0x640, $0x38;
	[tilespmem:$0x19C80] =	vst v63  }
0x288: {  	_ =	swait.ge [sflag:s15], $0x640  }
0x289: {  	[sflag:s15] =	ssyncset.done $0x0  }
0x28a: {  	[sflag:s15] =	ssyncadd.s32 $0xFFFFF9C0  }
0x28b: {  	_ =	swait.ge [sflag:s10], $0xC800  }
0x28c: {  	[sflag:s10] =	ssyncset.done $0x0  }
0x28d: {  	[sflag:s10] =	ssyncadd.s32 $0xFFFF3800  }
0x28e: {  	_ =	swait.ge [sflag:s7], $0xC800  }
0x28f: {  	[sflag:s7] =	ssyncset.done $0x0  }
0x290: {  	[sflag:s7] =	ssyncadd.s32 $0xFFFF3800  }
0x291: {  	[tilespmem:s13], [sflag:$0x1] =	stream.indirect.gather [hbm4b:s8+s12], $0x20, s2, s12, $0xb8;
	[tilespmem:$0x19C80] =	vst v63  }
0x292: {  	_ = 	snop  }
0x293: {  	[hbm4b:s20+s2] =	stream.linear.scatter [tilespmem:s9], [sflag:$0x2], $0xC800, $0x38;
	[tilespmem:$0x19C80] =	vst v63  }
0x294: {  	_ = 	snop  }
0x295: {  	[tilespmem:s12], [sflag:$0x3] =	stream.linear.gather [hbm4b:s16+s2], $0x640, $0x38;
	[tilespmem:$0x19C80] =	vst v63  }
0x296: {  	_ =	swait.ge [sflag:s15], $0x640  }
0x297: {  	[sflag:s15] =	ssyncset.done $0x0  }
0x298: {  	[sflag:s15] =	ssyncadd.s32 $0xFFFFF9C0  }
0x299: {  	_ =	swait.ge [sflag:s10], $0xC800  }
0x29a: {  	[sflag:s10] =	ssyncset.done $0x0  }
0x29b: {  	[sflag:s10] =	ssyncadd.s32 $0xFFFF3800  }
0x29c: {  	_ =	swait.ge [sflag:s7], $0xC800  }
0x29d: {  	[sflag:s7] =	ssyncset.done $0x0  }
0x29e: {  	[sflag:s7] =	ssyncadd.s32 $0xFFFF3800  }
0x29f: {  	[tilespmem:s9], [sflag:$0x1] =	stream.indirect.gather [hbm4b:s8+s12], $0x20, s12, s12, $0xb8;
	[tilespmem:$0x19C80] =	vst v63  }
0x2a0: {  	_ = 	snop  }
0x2a1: {  	[hbm4b:s19+s2] =	stream.linear.scatter [tilespmem:s13], [sflag:$0x2], $0xC800, $0x38;
	[tilespmem:$0x19C80] =	vst v63  }
0x2a2: {  	_ = 	snop  }
0x2a3: {  	[tilespmem:s2], [sflag:$0x3] =	stream.linear.gather [hbm4b:s11+s2], $0x640, $0x38;
	[tilespmem:$0x19C80] =	vst v63  }
0x2a4: {  	_ =	swait.ge [sflag:s15], $0x640  }
0x2a5: {  	[sflag:s15] =	ssyncset.done $0x0  }
0x2a6: {  	[sflag:s15] =	ssyncadd.s32 $0xFFFFF9C0  }
0x2a7: {  	_ =	swait.ge [sflag:s10], $0xC800  }
0x2a8: {  	[sflag:s10] =	ssyncset.done $0x0  }
0x2a9: {  	[sflag:s10] =	ssyncadd.s32 $0xFFFF3800  }
0x2aa: {  	_ =	swait.ge [sflag:s7], $0xC800  }
0x2ab: {  	[sflag:s7] =	ssyncset.done $0x0  }
0x2ac: {  	[sflag:s7] =	ssyncadd.s32 $0xFFFF3800  }
0x2ad: {  	[tilespmem:s13], [sflag:$0x1] =	stream.indirect.gather [hbm4b:s8+s12], $0x20, s2, s12, $0xb8;
	[tilespmem:$0x19C80] =	vst v63  }
0x2ae: {  	_ = 	snop  }
0x2af: {  	[hbm4b:s21+s2] =	stream.linear.scatter [tilespmem:s9], [sflag:$0x2], $0xC800, $0x38;
	[tilespmem:$0x19C80] =	vst v63  }
0x2b0: {  	_ = 	snop  }
0x2b1: {  	[tilespmem:s12], [sflag:$0x3] =	stream.linear.gather [hbm4b:s3+s2], $0x640, $0x38;
	[tilespmem:$0x19C80] =	vst v63  }
0x2b2: {  	_ =	swait.ge [sflag:s15], $0x640  }
0x2b3: {  	[sflag:s15] =	ssyncset.done $0x0  }
0x2b4: {  	[sflag:s15] =	ssyncadd.s32 $0xFFFFF9C0  }
0x2b5: {  	_ =	swait.ge [sflag:s10], $0xC800  }
0x2b6: {  	[sflag:s10] =	ssyncset.done $0x0  }
0x2b7: {  	[sflag:s10] =	ssyncadd.s32 $0xFFFF3800  }
0x2b8: {  	_ =	swait.ge [sflag:s7], $0xC800  }
0x2b9: {  	[sflag:s7] =	ssyncset.done $0x0  }
0x2ba: {  	[sflag:s7] =	ssyncadd.s32 $0xFFFF3800  }
0x2bb: {  	[tilespmem:s9], [sflag:$0x1] =	stream.indirect.gather [hbm4b:s8+s12], $0x20, s12, s12, $0xb8;
	[tilespmem:$0x19C80] =	vst v63  }
0x2bc: {  	_ = 	snop  }
0x2bd: {  	[hbm4b:s23+s2] =	stream.linear.scatter [tilespmem:s13], [sflag:$0x2], $0xC800, $0x38;
	[tilespmem:$0x19C80] =	vst v63  }
0x2be: {  	_ =	swait.ge [sflag:s10], $0xC800  }
0x2bf: {  	[sflag:s10] =	ssyncset.done $0x0  }
0x2c0: {  	[sflag:s10] =	ssyncadd.s32 $0xFFFF3800  }
0x2c1: {  	_ =	swait.ge [sflag:s7], $0xC800  }
0x2c2: {  	[sflag:s7] =	ssyncset.done $0x0  }
0x2c3: {  	[sflag:s7] =	ssyncadd.s32 $0xFFFF3800  }
0x2c4: {  	[hbm4b:s5+s2] =	stream.linear.scatter [tilespmem:s9], [sflag:$0x2], $0xC800, $0x38;
	[tilespmem:$0x19C80] =	vst v63  }
0x2c5: {  	_ =	swait.ge [sflag:s7], $0xC800  }
0x2c6: {  	[sflag:s7] =	ssyncset.done $0x0  }
0x2c7: {  	[sflag:s7] =	ssyncadd.s32 $0xFFFF3800  }
0x2c8: {  	_ =	sfence.sel $0x180000  }
0x2c9: {  	[bflag:$0x0] =	sbarrier.arrive $0xFFFF  }
0x2ca: {  	_ =	strace $0x90000047  }
0x2cb: {  	s31 =	stileid.u32;
	[bflag:$0x2] =	sbarrier.arrive $0xFFFF  }
0x2cc: {  	p0 =	sne.s32 s31, $0x0;
	s0 =	rddreg [dreg:$0x2]  }
0x2cd: {  	s0 =	sadd.s32 @!p0 $0x100000, s0  }
0x2ce: {  	[sflag:s0] =	ssyncadd.tile.s32 @!p0 $0x1;
	_ =	shalt  }
.Lfunc_end2:
_tile_overlayer_lowered:
.L_overlay_start_2:
0x2cf: {  	(tag) =	ssettag $0x2  }
0x2d0: {  	s0 =	rddreg [dreg:$0x0];
	s2 =	stileid.u32  }
0x2d1: {  	s1 =	rddreg [dreg:$0x1];
	p0 =	sne.s32 s2, $0x0  }
0x2d2: {  	s3 =	rddreg [dreg:$0x2];
	[bflag:$0x3] =	sbarrier.arrive $0xFFFF;
	s2 =	simm.s32 @!p0 $0x1C03  }
0x2d3: {  	[timem:s3], [sflag:s2] =	dma.local @!p0 [hbm:s0], s1  }
0x2d4: {  	s0 =	simm.s32 @!p0 $0x3  }
0x2d5: {  	_ =	swait.ge @!p0 [sflag:s0], s1  }
0x2d6: {  	s1 =	ssub.s32 @!p0 $0x0, s1;
	[sflag:s0] =	ssyncset.done @!p0 $0x0  }
0x2d7: {  	[sflag:s0] =	ssyncadd.s32 @!p0 s1  }
0x2d8: {  	[bflag:$0x3] =	sbarrier.arrive $0xFFFF  }
0x2d9: {  	_ =	shalt  }

// kernel: sparse-core-data-format-call.cloned.1.call-start
scs
called_computation_lowered:
.L_overlay_start_0:
0x0: {  	s2 =	sld [smem:$0x3FD9]  }
0x1: {  	s3 =	sld [smem:$0x3FFE];
	_ =	sdelay $0x1  }
0x2: {  	s1 =	srdreg.scid  }
0x3: {  	s0 =	sand.u32 $0x1, s1  }
0x4: {  	s18 =	sshll.u32 s0, $0xA;
	s2 =	sadd.s32 s3, s2  }
0x5: {  	s2 =	sadd.s32 s2, s18  }
0x6: {  	[smem:$0x3FC6] =	sst s2  }
0x7: {  	_ = 	snop  }
0x8: {  	s2 =	sld [smem:$0x3FD0];
	(tm) =	ssettm $0x1  }
0x9: {  	s19 =	sld [smem:$0x3FFB];
	_ =	sdelay $0x3  }
0xa: {  	_ =	strace s19  }
0xb: {  	s3 =	sld [smem:$0x3FFC];
	_ =	sdelay $0x3  }
0xc: {  	_ =	strace s3  }
0xd: {  	s3 =	sld [smem:$0x3FFD];
	_ =	sdelay $0x3  }
0xe: {  	_ =	strace s3  }
0xf: {  	_ =	strace $0x8FFFFFFF  }
0x10: {  	s20 =	sld [smem:$0x3FDB];
	_ =	sdelay $0x1  }
0x11: {  	s4 =	simm.s32 $_scs_section_size  }
0x12: {  	s5 =	simm.s32 $_size__tile_overlayer_lowered;
	s6 =	simm.s32 $_tile_overlayer_lowered  }
0x13: {  	s23 =	simm.s32 $0x1BFF;
	s22 =	sshll.u32 s6, $0x1;
	s3 =	sadd.s32 s4, s20  }
0x14: {  	s7 =	simm.s32 $0x0;
	s21 =	sshll.u32 s5, $0x1;
	s5 =	sadd.s32 s22, s3  }
0x15: {  	[timem:s7], [sflag:s23] =	dma.local [hbm:s5], s21  }
0x16: {  	_ =	swait.ge [sflag:s23], s21  }
0x17: {  	s4 =	ssub.s32 $0x0, s21;
	[sflag:s23] =	ssyncset.done $0x0  }
0x18: {  	[sflag:s23] =	ssyncadd.s32 s4;
	_ =	sdelay $0x1  }
0x19: {  	s24 =	simm.s32 $0x1B8B  }
0x1a: {  	_ =	swait.ge [sflag:s24], $0x1  }
0x1b: {  	[sflag:s24] =	ssyncset.done $0x0  }
0x1c: {  	s26 =	simm.s32 $0x1B8E;
	s25 =	sld [smem:$0x3FFE];
	[sflag:s24] =	ssyncadd.s32 $0xFFFFFFFF  }
0x1d: {  	s27 =	simm.s32 $execute0_lowered;
	[smem:$0x3FD2] =	sst s26  }
0x1e: {  	s5 =	sshll.u32 s27, $0x1;
	_ =	strace $0x80000049;
	[dreg:$0x1] =	wrdreg $0xFFFFFFFF  }
0x1f: {  	s28 =	simm.s32 $_size_execute0_lowered;
	s3 =	sadd.s32 s3, s5;
	[dreg:$0x0] =	wrdreg $0x0  }
0x20: {  	s5 =	sshll.u32 s28, $0x1;
	[dreg:$0x2] =	wrdreg s3  }
0x21: {  	[dreg:$0x3] =	wrdreg s5  }
0x22: {  	[dreg:$0x4] =	wrdreg $0xC0  }
0x23: {  	_ =	task [dreg:s7], $0x5FFFF  }
0x24: {  	[dreg:$0x1] =	wrdreg $0xFFFFFFFF  }
0x25: {  	[dreg:$0x0] =	wrdreg $0x60  }
0x26: {  	[dreg:$0x2] =	wrdreg s25  }
0x27: {  	[dreg:$0x3] =	wrdreg s2  }
0x28: {  	[dreg:$0x4] =	wrdreg $0x9  }
0x29: {  	_ =	task.clear_ibuf [dreg:s7], $0x5FFFF;
	_ =	strace $0x90000049  }
0x2a: {  	s29 =	simm.s32 $0x9;
	_ =	strace $0x8000004B  }
0x2b: {  	_ =	swait.ge [sflag:s29], $0x1  }
0x2c: {  	[sflag:s29] =	ssyncadd.s32 $0xFFFFFFFF  }
0x2d: {  	_ =	strace $0x9000004B  }
0x2e: {  	_ =	sfence  }
0x2f: {  	s30 =	sld [smem:$0x0];
	_ =	sdelay $0x2  }
0x30: {  	s31 =	sshll.u32 s1, $0xD;
	s1 =	sshrl.u32 s1, $0x2  }
0x31: {  	s3 =	sand.u32 $0x4000, s31;
	s1 =	sadd.s32 s1, s30  }
0x32: {  	s0 =	sor.u32 s3, s0;
	s1 =	sshll.u32 s1, $0x11  }
0x33: {  	s0 =	sor.u32 s1, s0  }
0x34: {  	s0 =	sadd.s32 $0x8F2B, s0  }
0x35: {  	[sflag:s0] =	ssyncadd.remote.s32 $0x1  }
0x36: {  	_ =	sfence.sel $0xFFFF  }
0x37: {  	[dreg:$0x0] =	wrdreg $0xFFFFFFFF;
	(pc) =	sbr.abs _section_cstart, $3  }
0x38: {  	[dreg:$0x1] =	wrdreg $0xFFFFFFFF  }
0x39: {  	_ =	task.clear_ibuf [dreg:s7], $0x2FFFF;
	_ =	strace $0x9FFFFFFF  }
0x3a: {  	(tm) =	ssettm $0x7FFFFFFF  }
0x3b: {  	_ =	shalt  }
tec
execute0_lowered:
.L_overlay_start_1:
0x0: {  	(tag) =	ssettag $0x1  }
0x1: {  	s0 =	srdreg.scid  }
0x2: {  	s1 =	sshll.u32 s0, $0x4  }
0x3: {  	s0 =	stileid.u32;
	s1 =	sand.u32 $0x10, s1  }
0x4: {  	s1 =	sor.u32 s0, s1  }
0x5: {  	s6 =	rddreg [dreg:$0x0];
	s4 =	simm.s32 $0x1;
	s2 =	sshll.u32 s1, $0x7  }
0x6: {  	s7 =	simm.s32 $0x2;
	s12 =	simm.s32 $0x0;
	s1 =	ssub.s32 $0x1000, s2  }
0x7: {  	s8 =	simm.s32 $0x8000;
	s13 =	simm.s32 $0x0;
	s3 =	sand.u32 $0xF80, s1  }
0x8: {  	s9 =	simm.s32 $0x0;
	s5 =	sshrl.u32 s1, $0xC;
	p0 =	sne.s32 s3, $0x0  }
.Ltmp0:
0x9: {  	s1 =	rddreg [dreg:$0x2];
	s4 =	simm.s32 @!p0 $0x0;
	(pc) =	sbr.rel .LBB1_1-.Ltmp0, $4  }
0xa: {  	s11 =	simm.s32 $0x0;
	s3 =	rddreg [dreg:$0x1];
	s5 =	sadd.s32 s4, s5  }
0xb: {  	_ =	strace $0x8000004A;
	s4 =	simm.s32 $0x1;
	s5 =	smul.u32 $0xC8, s5  }
0xc: {  	s6 =	sadd.s32 $0xA00, s6;
	s10 =	smov.u32 s2;
	[sflag:s4] =	ssyncpa.u1 $0x0  }
0xd: {  	p0 =	por $0x0, $0x0;
	[sflag:s7] =	ssyncpa.u1 $0x0;
	s7 =	sor.u32 $0x1, s5  }
.LBB1_4:
0xe: {  	s16 =	sshll.u32 s13, $0x3;
	s17 =	sand.u32 $0x78, s13  }
0xf: {  	s30 =	sand.u32 $0x3E00, s13;
	s12 =	sshll.u32 s12, $0xE;
	s16 =	sand.u32 $0xC00, s16  }
0x10: {  	s31 =	sand.u32 $0x7, s13;
	s16 =	sor.u32 s17, s16;
	s17 =	sadd.s32 s3, s30  }
0x11: {  	s13 =	sshll.u32 s31, $0x12;
	s16 =	sshrl.u32 s16, $0x3;
	s12 =	sadd.s32 s12, s17  }
0x12: {  	[tilespmem:s15+$0x0 ss:$0x81] =	vst.msk $0xffff, v0;
	s13 =	sor.u32 $0x400, s13;
	s12 =	sadd.s32 s16, s12  }
0x13: {  	[hbm4b:s12+s13] =	stream.strided.scatter [tilespmem:s14], [sflag:$0x2], $0x1000, s8, s13, $0x20;
	[tilespmem:$0x4040] =	vst v63  }
.LBB1_5:
0x14: {  	s14 =	sadd.s32 $0x1, s9  }
0x15: {  	s12 =	sadd.s32 $0x1000, s10;
	s16 =	smov.u32 s10;
	p2 =	sgt.s32 s14, $0xC7  }
0x16: {  	s16 =	smov.u32 @p2 s12  }
0x17: {  	s14 =	simm.s32 @p2 $0x0;
	p2 =	sgt.s32 s16, $0xFFF  }
0x18: {  	s16 =	smov.u32 @p2 s2;
	p2 =	sne.s32 s11, s7  }
.Ltmp1:
0x19: {  	p1 =	slt.u32 s11, $0x2;
	(pc) =	sbr.rel @!p2 .LBB1_6-.Ltmp1, $4  }
0x1a: {  	s15 =	simm.s32 @!p1 $0x2  }
0x1b: {  	s13 =	smov.u32 s10;
	p0 =	por !p0, !p0;
	_ =	swait.ge @!p1 [sflag:s15], $0x1000  }
0x1c: {  	s12 =	smov.u32 s9;
	[sflag:s15] =	ssyncset.done @!p1 $0x0;
	s9 =	smov.u32 s14  }
0x1d: {  	s11 =	sadd.s32 $0x1, s11;
	[sflag:s15] =	ssyncadd.s32 @!p1 $0xFFFFF000;
	s10 =	smov.u32 s16  }
.LBB1_1:
0x1e: {  	p1 =	sge.u32 s11, s5  }
0x1f: {  	s14 =	sand.u32 @!p1 $0x1FFFFFF, s9  }
0x20: {  	s15 =	smulhi.u32 @!p1 $0x147AE15, s14;
	_ =	sdelay $0x1  }
0x21: {  	s15 =	smul.u32 @!p1 $0xC8, s15  }
0x22: {  	s16 =	sxor.u32 @!p1 $0xFFFFFFFF, s11;
	s17 =	smul.u32 @!p1 $0xC80, s10  }
0x23: {  	s31 =	sadd.s32 $0xFFFFFFFF, s11;
	s16 =	sshll.u32 @!p1 s16, $0xC;
	s14 =	ssub.s32 @!p1 s14, s15  }
0x24: {  	s15 =	sand.u32 @!p1 $0x1000, s16;
	s16 =	sadd.s32 @!p1 s6, s17;
	s14 =	sshll.u32 @!p1 s14, $0x4  }
0x25: {  	s17 =	simm.s32 @!p1 $0x6400;
	s14 =	sadd.s32 @!p1 s14, s16;
	s16 =	simm.s32 @!p1 $0x20  }
0x26: {  	[tilespmem:s15], [sflag:$0x1] =	stream.strided.gather @!p1 [hbm4b:s14+s16], $0x1000, s17, s16, $0x38;
	[tilespmem:$0x4040] =	vst v63  }
0x27: {  	p1 =	sge.u32 s31, s5  }
.Ltmp2:
0x28: {  	_ = 	snop;
	(pc) =	sbr.rel @p1 .LBB1_5-.Ltmp2, $1  }
0x29: {  	_ =	sdelay $0x3  }
0x2a: {  	s14 =	simm.s32 $0x1  }
0x2b: {  	_ =	swait.ge [sflag:s4], $0x1000;
	s14 =	simm.s32 @!p0 $0x0  }
0x2c: {  	[sflag:s4] =	ssyncset.done $0x0;
	s15 =	sshll.u32 s14, $0xC  }
0x2d: {  	[sflag:s4] =	ssyncadd.s32 $0xFFFFF000;
	s18 =	sor.u32 $0x10, s15  }
0x2e: {  	s14 =	smul.u32 $0x4080, s14;
	v1 =	vld [tilespmem:s18+$0x0]  }
0x2f: {  	s30 =	sand.u32 $0x1, s11;
	v0 =	vld [tilespmem:s18+$0xFFFFFFF0]  }
0x30: {  	s15 =	smul.u32 $0x4080, s30;
	s14 =	sshrl.u32 s14, $0x2  }
0x31: {  	s16 =	sor.u32 $0x2000, s14  }
0x32: {  	s31 =	sshrl.u32 s15, $0x2;
	s15 =	sadd.s32 $0x0, s16  }
0x33: {  	s17 =	simm.s32 $0x4;
	s18 =	sadd.s32 $0x20, s18;
	s14 =	sor.u32 $0x2000, s31;
	[tilespmem:s15+$0x810 ss:$0x81] =	vst.msk $0xffff, v1  }
.LBB1_3:
0x34: {  	v1 =	vld [tilespmem:s18+$0x0];
	p1 =	sne.s32 s17, $0x1FC;
	[tilespmem:s15+$0x0 ss:$0x81] =	vst.msk $0xffff, v0;
	s15 =	smov.u32 s17;
	s17 =	sadd.s32 $0x4, s17  }
.Ltmp3:
0x35: {  	v0 =	vld [tilespmem:s18+$0xFFFFFFF0];
	(pc) =	sbr.rel @p1 .LBB1_3-.Ltmp3, $4  }
0x36: {  	_ = 	snop  }
0x37: {  	s15 =	sshra.s32 s15, $0x2  }
0x38: {  	s15 =	sadd.s32 s15, s16  }
0x39: {  	s18 =	sadd.s32 $0x20, s18;
	[tilespmem:s15+$0x810 ss:$0x81] =	vst.msk $0xffff, v1  }
.Ltmp4:
0x3a: {  	_ = 	snop;
	(pc) =	sbr.rel .LBB1_4-.Ltmp4, $1  }
0x3b: {  	_ =	sdelay $0x3  }
.LBB1_6:
0x3c: {  	_ =	sfence.sel $0x180000  }
0x3d: {  	s2 =	simm.s32 $0x1;
	[bflag:$0x0] =	sbarrier.arrive $0xFFFF  }
0x3e: {  	s31 =	simm.s32 $0x2;
	[sflag:s2] =	ssyncpa.u1 $0x1  }
0x3f: {  	[sflag:s31] =	ssyncpa.u1 $0x1  }
0x40: {  	p0 =	sne.s32 s0, $0x0;
	_ =	strace $0x9000004A  }
0x41: {  	s0 =	sadd.s32 @!p0 $0x100000, s1;
	[bflag:$0x2] =	sbarrier.arrive $0xFFFF  }
0x42: {  	[sflag:s0] =	ssyncadd.tile.s32 @!p0 $0x1;
	_ =	shalt  }
.Lfunc_end1:
_tile_overlayer_lowered:
.L_overlay_start_2:
0x43: {  	(tag) =	ssettag $0x2  }
0x44: {  	s0 =	rddreg [dreg:$0x0];
	s2 =	stileid.u32  }
0x45: {  	s1 =	rddreg [dreg:$0x1];
	p0 =	sne.s32 s2, $0x0  }
0x46: {  	s3 =	rddreg [dreg:$0x2];
	[bflag:$0x3] =	sbarrier.arrive $0xFFFF;
	s2 =	simm.s32 @!p0 $0x1C01  }
0x47: {  	[timem:s3], [sflag:s2] =	dma.local @!p0 [hbm:s0], s1  }
0x48: {  	s0 =	simm.s32 @!p0 $0x1  }
0x49: {  	_ =	swait.ge @!p0 [sflag:s0], s1  }
0x4a: {  	s1 =	ssub.s32 @!p0 $0x0, s1;
	[sflag:s0] =	ssyncset.done @!p0 $0x0  }
0x4b: {  	[sflag:s0] =	ssyncadd.s32 @!p0 s1  }
0x4c: {  	[bflag:$0x3] =	sbarrier.arrive $0xFFFF  }
0x4d: {  	_ =	shalt  }

</sc_bundles>
